<compile_context>
chip_gen: v7x
topology: tpu7x:2x2x1
jax: 0.10.2.dev20260603
libtpu: 0.0.44.dev20260713+nightly
codegen_flags: <defaults>
</compile_context>

<pallas_src>
import functools

import jax
import jax.numpy as jnp
from jax import lax
from jax.experimental import pallas as pl
from jax.experimental.pallas import tpu as pltpu
from jax.experimental.pallas import tpu_sc as plsc

N = 10000
E = 320000
D = 128

NC = 2
NS = 16
NW = NC * NS
CH = 128
K = 80
KH = K // 2
E_PAD = NW * K * CH
N_PAD = 10240
BLK_PER_SUB = (N_PAD // CH) // NS
PAD_ROW = N
DEG_W = 128

_mesh = plsc.VectorSubcoreMesh(core_axis_name="c", subcore_axis_name="s")
_f32 = jnp.float32



def _deg_body(dst_hbm, out_hbm, dstv, buf, accd):
    c = lax.axis_index("c")
    s = lax.axis_index("s")
    wid = s * NC + c
    pltpu.sync_copy(dst_hbm.at[wid], dstv)

    zero = jnp.zeros((16,), _f32)
    one = jnp.ones((16,), _f32)

    @pl.loop(0, CH)
    def _(r):
        @pl.loop(0, DEG_W, step=16)
        def _(cc):
            buf[r, pl.ds(cc, 16)] = zero

    @pl.loop(0, BLK_PER_SUB)
    def _(b):
        off = (s * BLK_PER_SUB + b) * CH
        pltpu.sync_copy(buf, accd.at[pl.ds(off, CH)])

    @pl.loop(0, CH)
    def _(r):
        buf[r, pl.ds(0, 16)] = one

    plsc.subcore_barrier()

    @pl.loop(0, K)
    def _(j):
        pltpu.sync_copy(buf, accd.at[dstv.at[j]], add=True)

    plsc.subcore_barrier()

    @pl.loop(0, BLK_PER_SUB)
    def _(b):
        off = (s * BLK_PER_SUB + b) * CH
        pltpu.sync_copy(accd.at[pl.ds(off, CH)], out_hbm.at[c].at[pl.ds(off, CH)])


_deg_call = pl.kernel(
    _deg_body,
    out_type=jax.ShapeDtypeStruct((NC, N_PAD, DEG_W), _f32),
    mesh=_mesh,
    scratch_types=[
        pltpu.VMEM((K, CH), jnp.int32),
        pltpu.VMEM((CH, DEG_W), _f32),
        pltpu.VMEM_SHARED((N_PAD, DEG_W), _f32),
    ],
)



def _seg_body(h_hbm, src_hbm, dst_hbm, out_hbm, srcv, dstv, rows0, rows1,
              acc, gsem0, gsem1, ssem0, ssem1):
    c = lax.axis_index("c")
    s = lax.axis_index("s")
    wid = s * NC + c

    zero = jnp.zeros((16,), _f32)

    @pl.loop(0, CH)
    def _(r):
        @pl.loop(0, D, step=16)
        def _(cc):
            rows0[r, pl.ds(cc, 16)] = zero

    @pl.loop(0, BLK_PER_SUB)
    def _(b):
        off = (s * BLK_PER_SUB + b) * CH
        pltpu.sync_copy(rows0, acc.at[pl.ds(off, CH)])

    plsc.subcore_barrier()

    @pl.loop(0, 2)
    def _(hf):
        pltpu.sync_copy(src_hbm.at[wid].at[hf], srcv)
        pltpu.sync_copy(dst_hbm.at[wid].at[hf], dstv)
        pltpu.async_copy(h_hbm.at[srcv.at[0]], rows0, gsem0)

        @pl.loop(0, KH // 2)
        def _(t):
            j0 = 2 * t
            pltpu.make_async_copy(h_hbm.at[srcv.at[j0]], rows0, gsem0).wait()

            @pl.when(t > 0)
            def _():
                pltpu.make_async_copy(rows1, acc.at[dstv.at[j0]], ssem1).wait()

            pltpu.async_copy(h_hbm.at[srcv.at[j0 + 1]], rows1, gsem1)
            pltpu.async_copy(rows0, acc.at[dstv.at[j0]], ssem0, add=True)
            pltpu.make_async_copy(h_hbm.at[srcv.at[j0 + 1]], rows1, gsem1).wait()
            pltpu.make_async_copy(rows0, acc.at[dstv.at[j0]], ssem0).wait()

            @pl.when(t < KH // 2 - 1)
            def _():
                pltpu.async_copy(h_hbm.at[srcv.at[j0 + 2]], rows0, gsem0)

            pltpu.async_copy(rows1, acc.at[dstv.at[j0 + 1]], ssem1, add=True)

        pltpu.make_async_copy(rows1, acc.at[dstv.at[KH - 1]], ssem1).wait()

    plsc.subcore_barrier()

    @pl.loop(0, BLK_PER_SUB)
    def _(b):
        off = (s * BLK_PER_SUB + b) * CH
        pltpu.sync_copy(acc.at[pl.ds(off, CH)], out_hbm.at[c].at[pl.ds(off, CH)])


_seg_call = pl.kernel(
    _seg_body,
    out_type=jax.ShapeDtypeStruct((NC, N_PAD, D), _f32),
    mesh=_mesh,
    scratch_types=[
        pltpu.VMEM((KH, CH), jnp.int32),
        pltpu.VMEM((KH, CH), jnp.int32),
        pltpu.VMEM((CH, D), _f32),
        pltpu.VMEM((CH, D), _f32),
        pltpu.VMEM_SHARED((N_PAD, D), _f32),
        pltpu.SemaphoreType.DMA,
        pltpu.SemaphoreType.DMA,
        pltpu.SemaphoreType.DMA,
        pltpu.SemaphoreType.DMA,
    ],
)



B = 256
NBLK = N_PAD // B


def _dinv_block(degp_ref):
    deg = degp_ref[0] + degp_ref[1] + 1.0
    return lax.rsqrt(deg)[:, 0:1]


def _row_mask(i):
    row = lax.broadcasted_iota(jnp.int32, (B, 1), 0) + i * B
    return row < N


def _tc1_body(x_ref, w_ref, degp_ref, out_ref):
    dinv = _dinv_block(degp_ref)
    h = jnp.dot(x_ref[...], w_ref[...], preferred_element_type=_f32)
    out_ref[...] = jnp.where(_row_mask(pl.program_id(0)), h * dinv, 0.0)


_tc1_call = pl.pallas_call(
    _tc1_body,
    grid=(N_PAD // B,),
    in_specs=[
        pl.BlockSpec((B, D), lambda i: (i, 0)),
        pl.BlockSpec((D, D), lambda i: (0, 0)),
        pl.BlockSpec((NC, B, DEG_W), lambda i: (0, i, 0)),
    ],
    out_specs=pl.BlockSpec((B, D), lambda i: (i, 0)),
    out_shape=jax.ShapeDtypeStruct((N_PAD, D), _f32),
)


def _tc2_body(s1_ref, h1_ref, degp_ref, w_ref, b1_ref, out_ref):
    dinv = _dinv_block(degp_ref)
    t = (s1_ref[0] + s1_ref[1] + h1_ref[...]) * dinv + b1_ref[...]
    z = jnp.where(t >= 0, t, 0.01 * t)
    h2 = jnp.dot(z, w_ref[...], preferred_element_type=_f32) * dinv
    out_ref[...] = jnp.where(_row_mask(pl.program_id(0)), h2, 0.0)


_tc2_call = pl.pallas_call(
    _tc2_body,
    grid=(N_PAD // B,),
    in_specs=[
        pl.BlockSpec((NC, B, D), lambda i: (0, i, 0)),
        pl.BlockSpec((B, D), lambda i: (i, 0)),
        pl.BlockSpec((NC, B, DEG_W), lambda i: (0, i, 0)),
        pl.BlockSpec((D, D), lambda i: (0, 0)),
        pl.BlockSpec((1, D), lambda i: (0, 0)),
    ],
    out_specs=pl.BlockSpec((B, D), lambda i: (i, 0)),
    out_shape=jax.ShapeDtypeStruct((N_PAD, D), _f32),
)


def _tc3_body(s2_ref, h2_ref, degp_ref, b2_ref, out_ref):
    dinv = _dinv_block(degp_ref)
    out_ref[...] = (s2_ref[0] + s2_ref[1] + h2_ref[...]) * dinv + b2_ref[...]


_tc3_call = pl.pallas_call(
    _tc3_body,
    grid=(N_PAD // B,),
    in_specs=[
        pl.BlockSpec((NC, B, D), lambda i: (0, i, 0)),
        pl.BlockSpec((B, D), lambda i: (i, 0)),
        pl.BlockSpec((NC, B, DEG_W), lambda i: (0, i, 0)),
        pl.BlockSpec((1, D), lambda i: (0, 0)),
    ],
    out_specs=pl.BlockSpec((B, D), lambda i: (i, 0)),
    out_shape=jax.ShapeDtypeStruct((N_PAD, D), _f32),
)



@jax.jit
def kernel(x, edge_index, W1, b1, W2, b2):
    src = edge_index[0].astype(jnp.int32)
    dst = edge_index[1].astype(jnp.int32)
    pad = PAD_ROW + (jnp.arange(E_PAD - E, dtype=jnp.int32) % (N_PAD - N))
    src_f = jnp.concatenate([src, pad])
    dst_f = jnp.concatenate([dst, pad])
    dst_p = dst_f.reshape(NW, K, CH)
    x_pad = jnp.concatenate([x, jnp.zeros((N_PAD - N, D), x.dtype)])

    src_h = src_f.reshape(NW, 2, KH, CH)
    dst_h = dst_f.reshape(NW, 2, KH, CH)

    degp = _deg_call(dst_p)
    h1p = _tc1_call(x_pad, W1, degp)
    s1p = _seg_call(h1p, src_h, dst_h)
    h2p = _tc2_call(s1p, h1p, degp, W2, b1.reshape(1, D))
    s2p = _seg_call(h2p, src_h, dst_h)
    out = _tc3_call(s2p, h2p, degp, b2.reshape(1, D))
    return out[:N]

# --- scband reference (transcript-rebuilt; emitter-appended) ---
"""Pipeline reference for scband-gnnencoder-5566277616603 (READ-ONLY COPY).

The authoritative reference and input builder live on the scoring server;
editing this copy changes nothing except your own understanding.
"""

import jax, jax.numpy as jnp
import numpy as np

N_NODES = 10000
N_EDGES = 320000
D_IN = 128
D_HID = 128
D_OUT = 128


def setup_inputs(seed: int = 0) -> dict:
    key = jax.random.key(seed)
    k1, k2, k3, k4, k5, k6 = jax.random.split(key, 6)
    x = jax.random.normal(k1, (N_NODES, D_IN), dtype=jnp.float32)
    edge_index = jax.random.randint(k2, (2, N_EDGES), 0, N_NODES, dtype=jnp.int64)
    # GCNConv layer params (PyG default: glorot weight, zero bias)
    W1 = jax.random.normal(k3, (D_IN, D_HID), dtype=jnp.float32) * (1.0 / np.sqrt(D_IN))
    b1 = jnp.zeros((D_HID,), dtype=jnp.float32)
    W2 = jax.random.normal(k4, (D_HID, D_OUT), dtype=jnp.float32) * (1.0 / np.sqrt(D_HID))
    b2 = jnp.zeros((D_OUT,), dtype=jnp.float32)
    return {"x": x, "edge_index": edge_index, "W1": W1, "b1": b1, "W2": W2, "b2": b2}


def _gcn_conv(x, src_sl, dst_sl, norm, W, b):
    # x @ W, then propagate over self-loop-augmented edge list with sym norm
    h = x @ W
    msgs = h[src_sl] * norm[:, None]
    out = jnp.zeros_like(h).at[dst_sl].add(msgs)
    return out + b


def reference(x, edge_index, W1, b1, W2, b2):
    n = x.shape[0]
    src, dst = edge_index[0], edge_index[1]
    # add self loops (PyG GCNConv default, fill_value=1.0)
    loop = jnp.arange(n, dtype=edge_index.dtype)
    src_sl = jnp.concatenate([src, loop])
    dst_sl = jnp.concatenate([dst, loop])
    # symmetric normalization deg^{-1/2} A_hat deg^{-1/2}
    deg = jnp.zeros((n,), dtype=x.dtype).at[dst_sl].add(1.0)
    dinv = jnp.where(deg > 0, deg ** -0.5, 0.0)
    norm = dinv[src_sl] * dinv[dst_sl]
    # layer 1 + LeakyReLU (dropout is identity in eval mode)
    h = _gcn_conv(x, src_sl, dst_sl, norm, W1, b1)
    h = jax.nn.leaky_relu(h, negative_slope=0.01)
    # layer 2 -> node embeddings (batch=None, no edge predictor)
    node_emb = _gcn_conv(h, src_sl, dst_sl, norm, W2, b2)
    return node_emb

if __name__ == "__main__":
    import jax
    _d = setup_inputs()
    print(jax.jit(kernel)(*tuple(_d.values())))

</pallas_src>

<mosaic_0001>
#map = affine_map<(d0, d1) -> (0, 0, 0)>
module attributes {stable_mosaic.version = 14 : i64} {
  func.func @_deg_body(%arg0: i32, %arg1: i32, %arg2: memref<32x80x128xi32, #tpu.memory_space<hbm>>, %arg3: memref<2x10240x128xf32, #tpu.memory_space<hbm>>, %arg4: memref<80x128xi32, #tpu.memory_space<vmem>>, %arg5: memref<128x128xf32, #tpu.memory_space<vmem>>, %arg6: memref<10240x128xf32, #tpu.memory_space<vmem_shared>>) attributes {dimension_semantics = [#tpu.dimension_semantics<core_parallel>, #tpu.dimension_semantics<subcore_parallel>], iteration_bounds = array<i64: 2, 16>, scalar_prefetch = 0 : i64, scratch_operands = 3 : i64, tpu.core_type = #tpu.core_type<sc_vector_subcore>, window_params = [{transform_indices = #map}, {transform_indices = #map}]} {
    %mul3A = arith.constant 2 : i32
    %mul3A_0 = arith.muli %arg1, %mul3A : i32
    %add3A = arith.addi %mul3A_0, %arg0 : i32
    "tpu.region"() ({
      %run_scoped3A = tpu.sem_alloc : memref<!tpu.dma_semaphore, #tpu.memory_space<semaphore_mem>>
      %dma_start3A = arith.constant 0 : i32
      %dma_start3A_29 = arith.constant 0 : i32
      %dma_start3A_30 = tpu.memref_slice %arg2[%add3A, %dma_start3A, %dma_start3A_29] : memref<32x80x128xi32, #tpu.memory_space<hbm>> -> memref<1x80x128xi32, #tpu.memory_space<hbm>>
      %dma_start3A_31 = tpu.memref_squeeze %dma_start3A_30 : memref<1x80x128xi32, #tpu.memory_space<hbm>> -> memref<80x128xi32, #tpu.memory_space<hbm>>
      %dma_start3A_32 = arith.constant 0 : i32
      %dma_start3A_33 = arith.constant 0 : i32
      %dma_start3A_34 = tpu.memref_slice %arg2[%add3A, %dma_start3A_32, %dma_start3A_33] : memref<32x80x128xi32, #tpu.memory_space<hbm>> -> memref<1x80x128xi32, #tpu.memory_space<hbm>>
      %dma_start3A_35 = tpu.memref_squeeze %dma_start3A_34 : memref<1x80x128xi32, #tpu.memory_space<hbm>> -> memref<80x128xi32, #tpu.memory_space<hbm>>
      tpu.enqueue_dma source(%dma_start3A_35 : memref<80x128xi32, #tpu.memory_space<hbm>>) target(%arg4 : memref<80x128xi32, #tpu.memory_space<vmem>>) target_semaphore(%run_scoped3A : memref<!tpu.dma_semaphore, #tpu.memory_space<semaphore_mem>>)
      %dma_wait3A = arith.constant 0 : i32
      %dma_wait3A_36 = arith.constant 0 : i32
      %dma_wait3A_37 = tpu.memref_slice %arg2[%add3A, %dma_wait3A, %dma_wait3A_36] : memref<32x80x128xi32, #tpu.memory_space<hbm>> -> memref<1x80x128xi32, #tpu.memory_space<hbm>>
      %dma_wait3A_38 = tpu.memref_squeeze %dma_wait3A_37 : memref<1x80x128xi32, #tpu.memory_space<hbm>> -> memref<80x128xi32, #tpu.memory_space<hbm>>
      %dma_wait3A_39 = arith.constant 0 : i32
      %dma_wait3A_40 = arith.constant 0 : i32
      %dma_wait3A_41 = tpu.memref_slice %arg2[%add3A, %dma_wait3A_39, %dma_wait3A_40] : memref<32x80x128xi32, #tpu.memory_space<hbm>> -> memref<1x80x128xi32, #tpu.memory_space<hbm>>
      %dma_wait3A_42 = tpu.memref_squeeze %dma_wait3A_41 : memref<1x80x128xi32, #tpu.memory_space<hbm>> -> memref<80x128xi32, #tpu.memory_space<hbm>>
      tpu.wait_dma2 semaphore(%run_scoped3A : memref<!tpu.dma_semaphore, #tpu.memory_space<semaphore_mem>>) src(%dma_wait3A_42 : memref<80x128xi32, #tpu.memory_space<hbm>>) dst(%arg4 : memref<80x128xi32, #tpu.memory_space<vmem>>)
      tpu.yield
    }) : () -> ()
    %broadcast_in_dim3A = arith.constant 0.000000e+00 : f32
    %broadcast_in_dim3A_1 = vector.broadcast %broadcast_in_dim3A : f32 to vector<16xf32>
    %broadcast_in_dim3A_2 = arith.constant 1.000000e+00 : f32
    %broadcast_in_dim3A_3 = vector.broadcast %broadcast_in_dim3A_2 : f32 to vector<16xf32>
    %scan3A = arith.constant 0 : i32
    %scan3A_4 = arith.constant 128 : i32
    %scan3A_5 = arith.addi %scan3A, %scan3A_4 : i32
    %scan3A_6 = arith.constant 1 : i32
    scf.for %scan3A_29 = %scan3A to %scan3A_5 step %scan3A_6  : i32 {
      %mul3A_30 = arith.constant 1 : i32
      %mul3A_31 = arith.muli %scan3A_29, %mul3A_30 : i32
      %add3A_32 = arith.constant 0 : i32
      %add3A_33 = arith.addi %add3A_32, %mul3A_31 : i32
      %scan3A_34 = arith.constant 0 : i32
      %scan3A_35 = arith.constant 8 : i32
      %scan3A_36 = arith.addi %scan3A_34, %scan3A_35 : i32
      %scan3A_37 = arith.constant 1 : i32
      scf.for %scan3A_39 = %scan3A_34 to %scan3A_36 step %scan3A_37  : i32 {
        %mul3A_40 = arith.constant 16 : i32
        %mul3A_41 = arith.muli %scan3A_39, %mul3A_40 : i32
        %add3A_42 = arith.constant 0 : i32
        %add3A_43 = arith.addi %add3A_42, %mul3A_41 : i32
        %swap3A = arith.index_cast %add3A_33 : i32 to index
        %swap3A_44 = arith.index_cast %add3A_43 : i32 to index
        %swap3A_45 = tpu.vector_load %arg5[%swap3A, %swap3A_44] {strides = array<i32>} : memref<128x128xf32, #tpu.memory_space<vmem>>, vector<1x16xf32>,
        %swap3A_46 = vector.shape_cast %swap3A_45 : vector<1x16xf32> to vector<16xf32>
        %swap3A_47 = vector.shape_cast %broadcast_in_dim3A_1 : vector<16xf32> to vector<1x16xf32>
        tpu.vector_store %arg5[%swap3A, %swap3A_44], %swap3A_47 {strides = array<i32>} : memref<128x128xf32, #tpu.memory_space<vmem>>, vector<1x16xf32>,
      }
      %scan3A_38 = arith.constant 8 : i32
    }
    %scan3A_7 = arith.constant 128 : i32
    %scan3A_8 = arith.constant 0 : i32
    %scan3A_9 = arith.constant 5 : i32
    %scan3A_10 = arith.addi %scan3A_8, %scan3A_9 : i32
    %scan3A_11 = arith.constant 1 : i32
    scf.for %scan3A_29 = %scan3A_8 to %scan3A_10 step %scan3A_11  : i32 {
      %mul3A_30 = arith.constant 1 : i32
      %mul3A_31 = arith.muli %scan3A_29, %mul3A_30 : i32
      %add3A_32 = arith.constant 0 : i32
      %add3A_33 = arith.addi %add3A_32, %mul3A_31 : i32
      %mul3A_34 = arith.constant 5 : i32
      %mul3A_35 = arith.muli %arg1, %mul3A_34 : i32
      %add3A_36 = arith.addi %mul3A_35, %add3A_33 : i32
      %mul3A_37 = arith.constant 128 : i32
      %mul3A_38 = arith.muli %add3A_36, %mul3A_37 : i32
      "tpu.region"() ({
        %run_scoped3A = tpu.sem_alloc : memref<!tpu.dma_semaphore, #tpu.memory_space<semaphore_mem>>
        %dma_start3A = arith.constant 0 : i32
        %dma_start3A_39 = tpu.memref_slice %arg6[%mul3A_38, %dma_start3A] : memref<10240x128xf32, #tpu.memory_space<vmem_shared>> -> memref<128x128xf32, #tpu.memory_space<vmem_shared>>
        %dma_start3A_40 = arith.constant 0 : i32
        %dma_start3A_41 = tpu.memref_slice %arg6[%mul3A_38, %dma_start3A_40] : memref<10240x128xf32, #tpu.memory_space<vmem_shared>> -> memref<128x128xf32, #tpu.memory_space<vmem_shared>>
        tpu.enqueue_dma source(%arg5 : memref<128x128xf32, #tpu.memory_space<vmem>>) target(%dma_start3A_41 : memref<128x128xf32, #tpu.memory_space<vmem_shared>>) target_semaphore(%run_scoped3A : memref<!tpu.dma_semaphore, #tpu.memory_space<semaphore_mem>>)
        %dma_wait3A = arith.constant 0 : i32
        %dma_wait3A_42 = tpu.memref_slice %arg6[%mul3A_38, %dma_wait3A] : memref<10240x128xf32, #tpu.memory_space<vmem_shared>> -> memref<128x128xf32, #tpu.memory_space<vmem_shared>>
        %dma_wait3A_43 = arith.constant 0 : i32
        %dma_wait3A_44 = tpu.memref_slice %arg6[%mul3A_38, %dma_wait3A_43] : memref<10240x128xf32, #tpu.memory_space<vmem_shared>> -> memref<128x128xf32, #tpu.memory_space<vmem_shared>>
        tpu.wait_dma2 semaphore(%run_scoped3A : memref<!tpu.dma_semaphore, #tpu.memory_space<semaphore_mem>>) src(%arg5 : memref<128x128xf32, #tpu.memory_space<vmem>>) dst(%dma_wait3A_44 : memref<128x128xf32, #tpu.memory_space<vmem_shared>>)
        tpu.yield
      }) : () -> ()
    }
    %scan3A_12 = arith.constant 5 : i32
    %scan3A_13 = arith.constant 0 : i32
    %scan3A_14 = arith.constant 128 : i32
    %scan3A_15 = arith.addi %scan3A_13, %scan3A_14 : i32
    %scan3A_16 = arith.constant 1 : i32
    scf.for %scan3A_29 = %scan3A_13 to %scan3A_15 step %scan3A_16  : i32 {
      %mul3A_30 = arith.constant 1 : i32
      %mul3A_31 = arith.muli %scan3A_29, %mul3A_30 : i32
      %add3A_32 = arith.constant 0 : i32
      %add3A_33 = arith.addi %add3A_32, %mul3A_31 : i32
      %swap3A = arith.index_cast %add3A_33 : i32 to index
      %swap3A_34 = arith.constant 0 : index
      %swap3A_35 = tpu.vector_load %arg5[%swap3A, %swap3A_34] {strides = array<i32>} : memref<128x128xf32, #tpu.memory_space<vmem>>, vector<1x16xf32>,
      %swap3A_36 = vector.shape_cast %swap3A_35 : vector<1x16xf32> to vector<16xf32>
      %swap3A_37 = vector.shape_cast %broadcast_in_dim3A_3 : vector<16xf32> to vector<1x16xf32>
      tpu.vector_store %arg5[%swap3A, %swap3A_34], %swap3A_37 {strides = array<i32>} : memref<128x128xf32, #tpu.memory_space<vmem>>, vector<1x16xf32>,
    }
    %scan3A_17 = arith.constant 128 : i32
    %barrier3A = arith.constant 0 : index
    tpu.barrier barrier_id(%barrier3A)
    %scan3A_18 = arith.constant 0 : i32
    %scan3A_19 = arith.constant 80 : i32
    %scan3A_20 = arith.addi %scan3A_18, %scan3A_19 : i32
    %scan3A_21 = arith.constant 1 : i32
    scf.for %scan3A_29 = %scan3A_18 to %scan3A_20 step %scan3A_21  : i32 {
      %mul3A_30 = arith.constant 1 : i32
      %mul3A_31 = arith.muli %scan3A_29, %mul3A_30 : i32
      %add3A_32 = arith.constant 0 : i32
      %add3A_33 = arith.addi %add3A_32, %mul3A_31 : i32
      "tpu.region"() ({
        %run_scoped3A = tpu.sem_alloc : memref<!tpu.dma_semaphore, #tpu.memory_space<semaphore_mem>>
        %dma_start3A = arith.constant 0 : i32
        %dma_start3A_34 = tpu.memref_slice %arg4[%add3A_33, %dma_start3A] : memref<80x128xi32, #tpu.memory_space<vmem>> -> memref<1x128xi32, #tpu.memory_space<vmem>>
        %dma_start3A_35 = tpu.memref_squeeze %dma_start3A_34 : memref<1x128xi32, #tpu.memory_space<vmem>> -> memref<128xi32, #tpu.memory_space<vmem>>
        %dma_start3A_36 = arith.constant 0 : i32
        %dma_start3A_37 = arith.constant 0 : i32
        %dma_start3A_38 = tpu.memref_slice %arg6[%dma_start3A_36, %dma_start3A_37] : memref<10240x128xf32, #tpu.memory_space<vmem_shared>> -> memref<10240x128xf32, #tpu.memory_space<vmem_shared>>
        tpu.enqueue_indirect_dma source(%arg5 : memref<128x128xf32, #tpu.memory_space<vmem>>) target(%dma_start3A_38 : memref<10240x128xf32, #tpu.memory_space<vmem_shared>>) offsets(%dma_start3A_35 : memref<128xi32, #tpu.memory_space<vmem>>) semaphore(%run_scoped3A : memref<!tpu.dma_semaphore, #tpu.memory_space<semaphore_mem>>) {add = true}
        %dma_wait3A = arith.constant 0 : i32
        %dma_wait3A_39 = tpu.memref_slice %arg4[%add3A_33, %dma_wait3A] : memref<80x128xi32, #tpu.memory_space<vmem>> -> memref<1x128xi32, #tpu.memory_space<vmem>>
        %dma_wait3A_40 = tpu.memref_squeeze %dma_wait3A_39 : memref<1x128xi32, #tpu.memory_space<vmem>> -> memref<128xi32, #tpu.memory_space<vmem>>
        %dma_wait3A_41 = arith.constant 0 : i32
        %dma_wait3A_42 = arith.constant 0 : i32
        %dma_wait3A_43 = tpu.memref_slice %arg6[%dma_wait3A_41, %dma_wait3A_42] : memref<10240x128xf32, #tpu.memory_space<vmem_shared>> -> memref<10240x128xf32, #tpu.memory_space<vmem_shared>>
        tpu.wait_indirect_dma semaphore(%run_scoped3A : memref<!tpu.dma_semaphore, #tpu.memory_space<semaphore_mem>>) src(%arg5 : memref<128x128xf32, #tpu.memory_space<vmem>>) dst(%dma_wait3A_43 : memref<10240x128xf32, #tpu.memory_space<vmem_shared>>)
        tpu.yield
      }) : () -> ()
    }
    %scan3A_22 = arith.constant 80 : i32
    %barrier3A_23 = arith.constant 0 : index
    tpu.barrier barrier_id(%barrier3A_23)
    %scan3A_24 = arith.constant 0 : i32
    %scan3A_25 = arith.constant 5 : i32
    %scan3A_26 = arith.addi %scan3A_24, %scan3A_25 : i32
    %scan3A_27 = arith.constant 1 : i32
    scf.for %scan3A_29 = %scan3A_24 to %scan3A_26 step %scan3A_27  : i32 {
      %mul3A_30 = arith.constant 1 : i32
      %mul3A_31 = arith.muli %scan3A_29, %mul3A_30 : i32
      %add3A_32 = arith.constant 0 : i32
      %add3A_33 = arith.addi %add3A_32, %mul3A_31 : i32
      %mul3A_34 = arith.constant 5 : i32
      %mul3A_35 = arith.muli %arg1, %mul3A_34 : i32
      %add3A_36 = arith.addi %mul3A_35, %add3A_33 : i32
      %mul3A_37 = arith.constant 128 : i32
      %mul3A_38 = arith.muli %add3A_36, %mul3A_37 : i32
      "tpu.region"() ({
        %run_scoped3A = tpu.sem_alloc : memref<!tpu.dma_semaphore, #tpu.memory_space<semaphore_mem>>
        %dma_start3A = arith.constant 0 : i32
        %dma_start3A_39 = arith.constant 0 : i32
        %dma_start3A_40 = tpu.memref_slice %arg3[%arg0, %dma_start3A, %dma_start3A_39] : memref<2x10240x128xf32, #tpu.memory_space<hbm>> -> memref<1x10240x128xf32, #tpu.memory_space<hbm>>
        %dma_start3A_41 = tpu.memref_squeeze %dma_start3A_40 : memref<1x10240x128xf32, #tpu.memory_space<hbm>> -> memref<10240x128xf32, #tpu.memory_space<hbm>>
        %dma_start3A_42 = arith.constant 0 : i32
        %dma_start3A_43 = tpu.memref_slice %dma_start3A_41[%mul3A_38, %dma_start3A_42] : memref<10240x128xf32, #tpu.memory_space<hbm>> -> memref<128x128xf32, #tpu.memory_space<hbm>>
        %dma_start3A_44 = arith.constant 0 : i32
        %dma_start3A_45 = tpu.memref_slice %arg6[%mul3A_38, %dma_start3A_44] : memref<10240x128xf32, #tpu.memory_space<vmem_shared>> -> memref<128x128xf32, #tpu.memory_space<vmem_shared>>
        tpu.enqueue_dma source(%dma_start3A_45 : memref<128x128xf32, #tpu.memory_space<vmem_shared>>) target(%dma_start3A_43 : memref<128x128xf32, #tpu.memory_space<hbm>>) target_semaphore(%run_scoped3A : memref<!tpu.dma_semaphore, #tpu.memory_space<semaphore_mem>>)
        %dma_wait3A = arith.constant 0 : i32
        %dma_wait3A_46 = arith.constant 0 : i32
        %dma_wait3A_47 = tpu.memref_slice %arg3[%arg0, %dma_wait3A, %dma_wait3A_46] : memref<2x10240x128xf32, #tpu.memory_space<hbm>> -> memref<1x10240x128xf32, #tpu.memory_space<hbm>>
        %dma_wait3A_48 = tpu.memref_squeeze %dma_wait3A_47 : memref<1x10240x128xf32, #tpu.memory_space<hbm>> -> memref<10240x128xf32, #tpu.memory_space<hbm>>
        %dma_wait3A_49 = arith.constant 0 : i32
        %dma_wait3A_50 = tpu.memref_slice %dma_wait3A_48[%mul3A_38, %dma_wait3A_49] : memref<10240x128xf32, #tpu.memory_space<hbm>> -> memref<128x128xf32, #tpu.memory_space<hbm>>
        %dma_wait3A_51 = arith.constant 0 : i32
        %dma_wait3A_52 = tpu.memref_slice %arg6[%mul3A_38, %dma_wait3A_51] : memref<10240x128xf32, #tpu.memory_space<vmem_shared>> -> memref<128x128xf32, #tpu.memory_space<vmem_shared>>
        tpu.wait_dma2 semaphore(%run_scoped3A : memref<!tpu.dma_semaphore, #tpu.memory_space<semaphore_mem>>) src(%dma_wait3A_52 : memref<128x128xf32, #tpu.memory_space<vmem_shared>>) dst(%dma_wait3A_50 : memref<128x128xf32, #tpu.memory_space<hbm>>)
        tpu.yield
      }) : () -> ()
    }
    %scan3A_28 = arith.constant 5 : i32
    return
  }
}

#map = affine_map<(d0, d1) -> (0, 0)>
#map1 = affine_map<(d0, d1) -> (0, 0, 0, 0)>
#map2 = affine_map<(d0, d1) -> (0, 0, 0)>
module attributes {stable_mosaic.version = 14 : i64} {
  func.func @_seg_body(%arg0: i32, %arg1: i32, %arg2: memref<10240x128xf32, #tpu.memory_space<hbm>>, %arg3: memref<32x2x40x128xi32, #tpu.memory_space<hbm>>, %arg4: memref<32x2x40x128xi32, #tpu.memory_space<hbm>>, %arg5: memref<2x10240x128xf32, #tpu.memory_space<hbm>>, %arg6: memref<40x128xi32, #tpu.memory_space<vmem>>, %arg7: memref<40x128xi32, #tpu.memory_space<vmem>>, %arg8: memref<128x128xf32, #tpu.memory_space<vmem>>, %arg9: memref<128x128xf32, #tpu.memory_space<vmem>>, %arg10: memref<10240x128xf32, #tpu.memory_space<vmem_shared>>, %arg11: memref<!tpu.dma_semaphore, #tpu.memory_space<semaphore_mem>>, %arg12: memref<!tpu.dma_semaphore, #tpu.memory_space<semaphore_mem>>, %arg13: memref<!tpu.dma_semaphore, #tpu.memory_space<semaphore_mem>>, %arg14: memref<!tpu.dma_semaphore, #tpu.memory_space<semaphore_mem>>) attributes {dimension_semantics = [#tpu.dimension_semantics<core_parallel>, #tpu.dimension_semantics<subcore_parallel>], iteration_bounds = array<i64: 2, 16>, scalar_prefetch = 0 : i64, scratch_operands = 9 : i64, tpu.core_type = #tpu.core_type<sc_vector_subcore>, window_params = [{transform_indices = #map}, {transform_indices = #map1}, {transform_indices = #map1}, {transform_indices = #map2}]} {
    %mul3A = arith.constant 2 : i32
    %mul3A_0 = arith.muli %arg1, %mul3A : i32
    %add3A = arith.addi %mul3A_0, %arg0 : i32
    %broadcast_in_dim3A = arith.constant 0.000000e+00 : f32
    %broadcast_in_dim3A_1 = vector.broadcast %broadcast_in_dim3A : f32 to vector<16xf32>
    %scan3A = arith.constant 0 : i32
    %scan3A_2 = arith.constant 128 : i32
    %scan3A_3 = arith.addi %scan3A, %scan3A_2 : i32
    %scan3A_4 = arith.constant 1 : i32
    scf.for %scan3A_22 = %scan3A to %scan3A_3 step %scan3A_4  : i32 {
      %mul3A_23 = arith.constant 1 : i32
      %mul3A_24 = arith.muli %scan3A_22, %mul3A_23 : i32
      %add3A_25 = arith.constant 0 : i32
      %add3A_26 = arith.addi %add3A_25, %mul3A_24 : i32
      %scan3A_27 = arith.constant 0 : i32
      %scan3A_28 = arith.constant 8 : i32
      %scan3A_29 = arith.addi %scan3A_27, %scan3A_28 : i32
      %scan3A_30 = arith.constant 1 : i32
      scf.for %scan3A_32 = %scan3A_27 to %scan3A_29 step %scan3A_30  : i32 {
        %mul3A_33 = arith.constant 16 : i32
        %mul3A_34 = arith.muli %scan3A_32, %mul3A_33 : i32
        %add3A_35 = arith.constant 0 : i32
        %add3A_36 = arith.addi %add3A_35, %mul3A_34 : i32
        %swap3A = arith.index_cast %add3A_26 : i32 to index
        %swap3A_37 = arith.index_cast %add3A_36 : i32 to index
        %swap3A_38 = tpu.vector_load %arg8[%swap3A, %swap3A_37] {strides = array<i32>} : memref<128x128xf32, #tpu.memory_space<vmem>>, vector<1x16xf32>,
        %swap3A_39 = vector.shape_cast %swap3A_38 : vector<1x16xf32> to vector<16xf32>
        %swap3A_40 = vector.shape_cast %broadcast_in_dim3A_1 : vector<16xf32> to vector<1x16xf32>
        tpu.vector_store %arg8[%swap3A, %swap3A_37], %swap3A_40 {strides = array<i32>} : memref<128x128xf32, #tpu.memory_space<vmem>>, vector<1x16xf32>,
      }
      %scan3A_31 = arith.constant 8 : i32
    }
    %scan3A_5 = arith.constant 128 : i32
    %scan3A_6 = arith.constant 0 : i32
    %scan3A_7 = arith.constant 5 : i32
    %scan3A_8 = arith.addi %scan3A_6, %scan3A_7 : i32
    %scan3A_9 = arith.constant 1 : i32
    scf.for %scan3A_22 = %scan3A_6 to %scan3A_8 step %scan3A_9  : i32 {
      %mul3A_23 = arith.constant 1 : i32
      %mul3A_24 = arith.muli %scan3A_22, %mul3A_23 : i32
      %add3A_25 = arith.constant 0 : i32
      %add3A_26 = arith.addi %add3A_25, %mul3A_24 : i32
      %mul3A_27 = arith.constant 5 : i32
      %mul3A_28 = arith.muli %arg1, %mul3A_27 : i32
      %add3A_29 = arith.addi %mul3A_28, %add3A_26 : i32
      %mul3A_30 = arith.constant 128 : i32
      %mul3A_31 = arith.muli %add3A_29, %mul3A_30 : i32
      "tpu.region"() ({
        %run_scoped3A = tpu.sem_alloc : memref<!tpu.dma_semaphore, #tpu.memory_space<semaphore_mem>>
        %dma_start3A = arith.constant 0 : i32
        %dma_start3A_32 = tpu.memref_slice %arg10[%mul3A_31, %dma_start3A] : memref<10240x128xf32, #tpu.memory_space<vmem_shared>> -> memref<128x128xf32, #tpu.memory_space<vmem_shared>>
        %dma_start3A_33 = arith.constant 0 : i32
        %dma_start3A_34 = tpu.memref_slice %arg10[%mul3A_31, %dma_start3A_33] : memref<10240x128xf32, #tpu.memory_space<vmem_shared>> -> memref<128x128xf32, #tpu.memory_space<vmem_shared>>
        tpu.enqueue_dma source(%arg8 : memref<128x128xf32, #tpu.memory_space<vmem>>) target(%dma_start3A_34 : memref<128x128xf32, #tpu.memory_space<vmem_shared>>) target_semaphore(%run_scoped3A : memref<!tpu.dma_semaphore, #tpu.memory_space<semaphore_mem>>)
        %dma_wait3A = arith.constant 0 : i32
        %dma_wait3A_35 = tpu.memref_slice %arg10[%mul3A_31, %dma_wait3A] : memref<10240x128xf32, #tpu.memory_space<vmem_shared>> -> memref<128x128xf32, #tpu.memory_space<vmem_shared>>
        %dma_wait3A_36 = arith.constant 0 : i32
        %dma_wait3A_37 = tpu.memref_slice %arg10[%mul3A_31, %dma_wait3A_36] : memref<10240x128xf32, #tpu.memory_space<vmem_shared>> -> memref<128x128xf32, #tpu.memory_space<vmem_shared>>
        tpu.wait_dma2 semaphore(%run_scoped3A : memref<!tpu.dma_semaphore, #tpu.memory_space<semaphore_mem>>) src(%arg8 : memref<128x128xf32, #tpu.memory_space<vmem>>) dst(%dma_wait3A_37 : memref<128x128xf32, #tpu.memory_space<vmem_shared>>)
        tpu.yield
      }) : () -> ()
    }
    %scan3A_10 = arith.constant 5 : i32
    %barrier3A = arith.constant 0 : index
    tpu.barrier barrier_id(%barrier3A)
    %scan3A_11 = arith.constant 0 : i32
    %scan3A_12 = arith.constant 2 : i32
    %scan3A_13 = arith.addi %scan3A_11, %scan3A_12 : i32
    %scan3A_14 = arith.constant 1 : i32
    scf.for %scan3A_22 = %scan3A_11 to %scan3A_13 step %scan3A_14  : i32 {
      %mul3A_23 = arith.constant 1 : i32
      %mul3A_24 = arith.muli %scan3A_22, %mul3A_23 : i32
      %add3A_25 = arith.constant 0 : i32
      %add3A_26 = arith.addi %add3A_25, %mul3A_24 : i32
      "tpu.region"() ({
        %run_scoped3A = tpu.sem_alloc : memref<!tpu.dma_semaphore, #tpu.memory_space<semaphore_mem>>
        %dma_start3A_44 = arith.constant 0 : i32
        %dma_start3A_45 = arith.constant 0 : i32
        %dma_start3A_46 = arith.constant 0 : i32
        %dma_start3A_47 = tpu.memref_slice %arg3[%add3A, %dma_start3A_44, %dma_start3A_45, %dma_start3A_46] : memref<32x2x40x128xi32, #tpu.memory_space<hbm>> -> memref<1x2x40x128xi32, #tpu.memory_space<hbm>>
        %dma_start3A_48 = tpu.memref_squeeze %dma_start3A_47 : memref<1x2x40x128xi32, #tpu.memory_space<hbm>> -> memref<2x40x128xi32, #tpu.memory_space<hbm>>
        %dma_start3A_49 = arith.constant 0 : i32
        %dma_start3A_50 = arith.constant 0 : i32
        %dma_start3A_51 = tpu.memref_slice %dma_start3A_48[%add3A_26, %dma_start3A_49, %dma_start3A_50] : memref<2x40x128xi32, #tpu.memory_space<hbm>> -> memref<1x40x128xi32, #tpu.memory_space<hbm>>
        %dma_start3A_52 = tpu.memref_squeeze %dma_start3A_51 : memref<1x40x128xi32, #tpu.memory_space<hbm>> -> memref<40x128xi32, #tpu.memory_space<hbm>>
        %dma_start3A_53 = arith.constant 0 : i32
        %dma_start3A_54 = arith.constant 0 : i32
        %dma_start3A_55 = arith.constant 0 : i32
        %dma_start3A_56 = tpu.memref_slice %arg3[%add3A, %dma_start3A_53, %dma_start3A_54, %dma_start3A_55] : memref<32x2x40x128xi32, #tpu.memory_space<hbm>> -> memref<1x2x40x128xi32, #tpu.memory_space<hbm>>
        %dma_start3A_57 = tpu.memref_squeeze %dma_start3A_56 : memref<1x2x40x128xi32, #tpu.memory_space<hbm>> -> memref<2x40x128xi32, #tpu.memory_space<hbm>>
        %dma_start3A_58 = arith.constant 0 : i32
        %dma_start3A_59 = arith.constant 0 : i32
        %dma_start3A_60 = tpu.memref_slice %dma_start3A_57[%add3A_26, %dma_start3A_58, %dma_start3A_59] : memref<2x40x128xi32, #tpu.memory_space<hbm>> -> memref<1x40x128xi32, #tpu.memory_space<hbm>>
        %dma_start3A_61 = tpu.memref_squeeze %dma_start3A_60 : memref<1x40x128xi32, #tpu.memory_space<hbm>> -> memref<40x128xi32, #tpu.memory_space<hbm>>
        tpu.enqueue_dma source(%dma_start3A_61 : memref<40x128xi32, #tpu.memory_space<hbm>>) target(%arg6 : memref<40x128xi32, #tpu.memory_space<vmem>>) target_semaphore(%run_scoped3A : memref<!tpu.dma_semaphore, #tpu.memory_space<semaphore_mem>>)
        %dma_wait3A_62 = arith.constant 0 : i32
        %dma_wait3A_63 = arith.constant 0 : i32
        %dma_wait3A_64 = arith.constant 0 : i32
        %dma_wait3A_65 = tpu.memref_slice %arg3[%add3A, %dma_wait3A_62, %dma_wait3A_63, %dma_wait3A_64] : memref<32x2x40x128xi32, #tpu.memory_space<hbm>> -> memref<1x2x40x128xi32, #tpu.memory_space<hbm>>
        %dma_wait3A_66 = tpu.memref_squeeze %dma_wait3A_65 : memref<1x2x40x128xi32, #tpu.memory_space<hbm>> -> memref<2x40x128xi32, #tpu.memory_space<hbm>>
        %dma_wait3A_67 = arith.constant 0 : i32
        %dma_wait3A_68 = arith.constant 0 : i32
        %dma_wait3A_69 = tpu.memref_slice %dma_wait3A_66[%add3A_26, %dma_wait3A_67, %dma_wait3A_68] : memref<2x40x128xi32, #tpu.memory_space<hbm>> -> memref<1x40x128xi32, #tpu.memory_space<hbm>>
        %dma_wait3A_70 = tpu.memref_squeeze %dma_wait3A_69 : memref<1x40x128xi32, #tpu.memory_space<hbm>> -> memref<40x128xi32, #tpu.memory_space<hbm>>
        %dma_wait3A_71 = arith.constant 0 : i32
        %dma_wait3A_72 = arith.constant 0 : i32
        %dma_wait3A_73 = arith.constant 0 : i32
        %dma_wait3A_74 = tpu.memref_slice %arg3[%add3A, %dma_wait3A_71, %dma_wait3A_72, %dma_wait3A_73] : memref<32x2x40x128xi32, #tpu.memory_space<hbm>> -> memref<1x2x40x128xi32, #tpu.memory_space<hbm>>
        %dma_wait3A_75 = tpu.memref_squeeze %dma_wait3A_74 : memref<1x2x40x128xi32, #tpu.memory_space<hbm>> -> memref<2x40x128xi32, #tpu.memory_space<hbm>>
        %dma_wait3A_76 = arith.constant 0 : i32
        %dma_wait3A_77 = arith.constant 0 : i32
        %dma_wait3A_78 = tpu.memref_slice %dma_wait3A_75[%add3A_26, %dma_wait3A_76, %dma_wait3A_77] : memref<2x40x128xi32, #tpu.memory_space<hbm>> -> memref<1x40x128xi32, #tpu.memory_space<hbm>>
        %dma_wait3A_79 = tpu.memref_squeeze %dma_wait3A_78 : memref<1x40x128xi32, #tpu.memory_space<hbm>> -> memref<40x128xi32, #tpu.memory_space<hbm>>
        tpu.wait_dma2 semaphore(%run_scoped3A : memref<!tpu.dma_semaphore, #tpu.memory_space<semaphore_mem>>) src(%dma_wait3A_79 : memref<40x128xi32, #tpu.memory_space<hbm>>) dst(%arg6 : memref<40x128xi32, #tpu.memory_space<vmem>>)
        tpu.yield
      }) : () -> ()
      "tpu.region"() ({
        %run_scoped3A = tpu.sem_alloc : memref<!tpu.dma_semaphore, #tpu.memory_space<semaphore_mem>>
        %dma_start3A_44 = arith.constant 0 : i32
        %dma_start3A_45 = arith.constant 0 : i32
        %dma_start3A_46 = arith.constant 0 : i32
        %dma_start3A_47 = tpu.memref_slice %arg4[%add3A, %dma_start3A_44, %dma_start3A_45, %dma_start3A_46] : memref<32x2x40x128xi32, #tpu.memory_space<hbm>> -> memref<1x2x40x128xi32, #tpu.memory_space<hbm>>
        %dma_start3A_48 = tpu.memref_squeeze %dma_start3A_47 : memref<1x2x40x128xi32, #tpu.memory_space<hbm>> -> memref<2x40x128xi32, #tpu.memory_space<hbm>>
        %dma_start3A_49 = arith.constant 0 : i32
        %dma_start3A_50 = arith.constant 0 : i32
        %dma_start3A_51 = tpu.memref_slice %dma_start3A_48[%add3A_26, %dma_start3A_49, %dma_start3A_50] : memref<2x40x128xi32, #tpu.memory_space<hbm>> -> memref<1x40x128xi32, #tpu.memory_space<hbm>>
        %dma_start3A_52 = tpu.memref_squeeze %dma_start3A_51 : memref<1x40x128xi32, #tpu.memory_space<hbm>> -> memref<40x128xi32, #tpu.memory_space<hbm>>
        %dma_start3A_53 = arith.constant 0 : i32
        %dma_start3A_54 = arith.constant 0 : i32
        %dma_start3A_55 = arith.constant 0 : i32
        %dma_start3A_56 = tpu.memref_slice %arg4[%add3A, %dma_start3A_53, %dma_start3A_54, %dma_start3A_55] : memref<32x2x40x128xi32, #tpu.memory_space<hbm>> -> memref<1x2x40x128xi32, #tpu.memory_space<hbm>>
        %dma_start3A_57 = tpu.memref_squeeze %dma_start3A_56 : memref<1x2x40x128xi32, #tpu.memory_space<hbm>> -> memref<2x40x128xi32, #tpu.memory_space<hbm>>
        %dma_start3A_58 = arith.constant 0 : i32
        %dma_start3A_59 = arith.constant 0 : i32
        %dma_start3A_60 = tpu.memref_slice %dma_start3A_57[%add3A_26, %dma_start3A_58, %dma_start3A_59] : memref<2x40x128xi32, #tpu.memory_space<hbm>> -> memref<1x40x128xi32, #tpu.memory_space<hbm>>
        %dma_start3A_61 = tpu.memref_squeeze %dma_start3A_60 : memref<1x40x128xi32, #tpu.memory_space<hbm>> -> memref<40x128xi32, #tpu.memory_space<hbm>>
        tpu.enqueue_dma source(%dma_start3A_61 : memref<40x128xi32, #tpu.memory_space<hbm>>) target(%arg7 : memref<40x128xi32, #tpu.memory_space<vmem>>) target_semaphore(%run_scoped3A : memref<!tpu.dma_semaphore, #tpu.memory_space<semaphore_mem>>)
        %dma_wait3A_62 = arith.constant 0 : i32
        %dma_wait3A_63 = arith.constant 0 : i32
        %dma_wait3A_64 = arith.constant 0 : i32
        %dma_wait3A_65 = tpu.memref_slice %arg4[%add3A, %dma_wait3A_62, %dma_wait3A_63, %dma_wait3A_64] : memref<32x2x40x128xi32, #tpu.memory_space<hbm>> -> memref<1x2x40x128xi32, #tpu.memory_space<hbm>>
        %dma_wait3A_66 = tpu.memref_squeeze %dma_wait3A_65 : memref<1x2x40x128xi32, #tpu.memory_space<hbm>> -> memref<2x40x128xi32, #tpu.memory_space<hbm>>
        %dma_wait3A_67 = arith.constant 0 : i32
        %dma_wait3A_68 = arith.constant 0 : i32
        %dma_wait3A_69 = tpu.memref_slice %dma_wait3A_66[%add3A_26, %dma_wait3A_67, %dma_wait3A_68] : memref<2x40x128xi32, #tpu.memory_space<hbm>> -> memref<1x40x128xi32, #tpu.memory_space<hbm>>
        %dma_wait3A_70 = tpu.memref_squeeze %dma_wait3A_69 : memref<1x40x128xi32, #tpu.memory_space<hbm>> -> memref<40x128xi32, #tpu.memory_space<hbm>>
        %dma_wait3A_71 = arith.constant 0 : i32
        %dma_wait3A_72 = arith.constant 0 : i32
        %dma_wait3A_73 = arith.constant 0 : i32
        %dma_wait3A_74 = tpu.memref_slice %arg4[%add3A, %dma_wait3A_71, %dma_wait3A_72, %dma_wait3A_73] : memref<32x2x40x128xi32, #tpu.memory_space<hbm>> -> memref<1x2x40x128xi32, #tpu.memory_space<hbm>>
        %dma_wait3A_75 = tpu.memref_squeeze %dma_wait3A_74 : memref<1x2x40x128xi32, #tpu.memory_space<hbm>> -> memref<2x40x128xi32, #tpu.memory_space<hbm>>
        %dma_wait3A_76 = arith.constant 0 : i32
        %dma_wait3A_77 = arith.constant 0 : i32
        %dma_wait3A_78 = tpu.memref_slice %dma_wait3A_75[%add3A_26, %dma_wait3A_76, %dma_wait3A_77] : memref<2x40x128xi32, #tpu.memory_space<hbm>> -> memref<1x40x128xi32, #tpu.memory_space<hbm>>
        %dma_wait3A_79 = tpu.memref_squeeze %dma_wait3A_78 : memref<1x40x128xi32, #tpu.memory_space<hbm>> -> memref<40x128xi32, #tpu.memory_space<hbm>>
        tpu.wait_dma2 semaphore(%run_scoped3A : memref<!tpu.dma_semaphore, #tpu.memory_space<semaphore_mem>>) src(%dma_wait3A_79 : memref<40x128xi32, #tpu.memory_space<hbm>>) dst(%arg7 : memref<40x128xi32, #tpu.memory_space<vmem>>)
        tpu.yield
      }) : () -> ()
      %dma_start3A = arith.constant 0 : i32
      %dma_start3A_27 = arith.constant 0 : i32
      %dma_start3A_28 = tpu.memref_slice %arg6[%dma_start3A, %dma_start3A_27] : memref<40x128xi32, #tpu.memory_space<vmem>> -> memref<1x128xi32, #tpu.memory_space<vmem>>
      %dma_start3A_29 = tpu.memref_squeeze %dma_start3A_28 : memref<1x128xi32, #tpu.memory_space<vmem>> -> memref<128xi32, #tpu.memory_space<vmem>>
      %dma_start3A_30 = arith.constant 0 : i32
      %dma_start3A_31 = arith.constant 0 : i32
      %dma_start3A_32 = tpu.memref_slice %arg2[%dma_start3A_30, %dma_start3A_31] : memref<10240x128xf32, #tpu.memory_space<hbm>> -> memref<10240x128xf32, #tpu.memory_space<hbm>>
      tpu.enqueue_indirect_dma source(%dma_start3A_32 : memref<10240x128xf32, #tpu.memory_space<hbm>>) target(%arg8 : memref<128x128xf32, #tpu.memory_space<vmem>>) offsets(%dma_start3A_29 : memref<128xi32, #tpu.memory_space<vmem>>) semaphore(%arg11 : memref<!tpu.dma_semaphore, #tpu.memory_space<semaphore_mem>>)
      %scan3A_33 = arith.constant 0 : i32
      %scan3A_34 = arith.constant 20 : i32
      %scan3A_35 = arith.addi %scan3A_33, %scan3A_34 : i32
      %scan3A_36 = arith.constant 1 : i32
      scf.for %scan3A_44 = %scan3A_33 to %scan3A_35 step %scan3A_36  : i32 {
        %mul3A_45 = arith.constant 1 : i32
        %mul3A_46 = arith.muli %scan3A_44, %mul3A_45 : i32
        %add3A_47 = arith.constant 0 : i32
        %add3A_48 = arith.addi %add3A_47, %mul3A_46 : i32
        %mul3A_49 = arith.constant 2 : i32
        %mul3A_50 = arith.muli %mul3A_49, %add3A_48 : i32
        %dma_wait3A_51 = arith.constant 0 : i32
        %dma_wait3A_52 = tpu.memref_slice %arg6[%mul3A_50, %dma_wait3A_51] : memref<40x128xi32, #tpu.memory_space<vmem>> -> memref<1x128xi32, #tpu.memory_space<vmem>>
        %dma_wait3A_53 = tpu.memref_squeeze %dma_wait3A_52 : memref<1x128xi32, #tpu.memory_space<vmem>> -> memref<128xi32, #tpu.memory_space<vmem>>
        %dma_wait3A_54 = arith.constant 0 : i32
        %dma_wait3A_55 = arith.constant 0 : i32
        %dma_wait3A_56 = tpu.memref_slice %arg2[%dma_wait3A_54, %dma_wait3A_55] : memref<10240x128xf32, #tpu.memory_space<hbm>> -> memref<10240x128xf32, #tpu.memory_space<hbm>>
        tpu.wait_indirect_dma semaphore(%arg11 : memref<!tpu.dma_semaphore, #tpu.memory_space<semaphore_mem>>) src(%dma_wait3A_56 : memref<10240x128xf32, #tpu.memory_space<hbm>>) dst(%arg8 : memref<128x128xf32, #tpu.memory_space<vmem>>)
        %gt3A = arith.constant 0 : i32
        %gt3A_57 = arith.cmpi sgt, %add3A_48, %gt3A : i32
        %convert_element_type3A = arith.extui %gt3A_57 : i1 to i32
        %cond3A = arith.constant 0 : i32
        %cond3A_58 = arith.cmpi ne, %convert_element_type3A, %cond3A : i32
        scf.if %cond3A_58 {
          %dma_wait3A_99 = arith.constant 0 : i32
          %dma_wait3A_100 = tpu.memref_slice %arg7[%mul3A_50, %dma_wait3A_99] : memref<40x128xi32, #tpu.memory_space<vmem>> -> memref<1x128xi32, #tpu.memory_space<vmem>>
          %dma_wait3A_101 = tpu.memref_squeeze %dma_wait3A_100 : memref<1x128xi32, #tpu.memory_space<vmem>> -> memref<128xi32, #tpu.memory_space<vmem>>
          %dma_wait3A_102 = arith.constant 0 : i32
          %dma_wait3A_103 = arith.constant 0 : i32
          %dma_wait3A_104 = tpu.memref_slice %arg10[%dma_wait3A_102, %dma_wait3A_103] : memref<10240x128xf32, #tpu.memory_space<vmem_shared>> -> memref<10240x128xf32, #tpu.memory_space<vmem_shared>>
          tpu.wait_indirect_dma semaphore(%arg14 : memref<!tpu.dma_semaphore, #tpu.memory_space<semaphore_mem>>) src(%arg9 : memref<128x128xf32, #tpu.memory_space<vmem>>) dst(%dma_wait3A_104 : memref<10240x128xf32, #tpu.memory_space<vmem_shared>>)
        } else {
        }
        %add3A_59 = arith.constant 1 : i32
        %add3A_60 = arith.addi %mul3A_50, %add3A_59 : i32
        %dma_start3A_61 = arith.constant 0 : i32
        %dma_start3A_62 = tpu.memref_slice %arg6[%add3A_60, %dma_start3A_61] : memref<40x128xi32, #tpu.memory_space<vmem>> -> memref<1x128xi32, #tpu.memory_space<vmem>>
        %dma_start3A_63 = tpu.memref_squeeze %dma_start3A_62 : memref<1x128xi32, #tpu.memory_space<vmem>> -> memref<128xi32, #tpu.memory_space<vmem>>
        %dma_start3A_64 = arith.constant 0 : i32
        %dma_start3A_65 = arith.constant 0 : i32
        %dma_start3A_66 = tpu.memref_slice %arg2[%dma_start3A_64, %dma_start3A_65] : memref<10240x128xf32, #tpu.memory_space<hbm>> -> memref<10240x128xf32, #tpu.memory_space<hbm>>
        tpu.enqueue_indirect_dma source(%dma_start3A_66 : memref<10240x128xf32, #tpu.memory_space<hbm>>) target(%arg9 : memref<128x128xf32, #tpu.memory_space<vmem>>) offsets(%dma_start3A_63 : memref<128xi32, #tpu.memory_space<vmem>>) semaphore(%arg12 : memref<!tpu.dma_semaphore, #tpu.memory_space<semaphore_mem>>)
        %dma_start3A_67 = arith.constant 0 : i32
        %dma_start3A_68 = tpu.memref_slice %arg7[%mul3A_50, %dma_start3A_67] : memref<40x128xi32, #tpu.memory_space<vmem>> -> memref<1x128xi32, #tpu.memory_space<vmem>>
        %dma_start3A_69 = tpu.memref_squeeze %dma_start3A_68 : memref<1x128xi32, #tpu.memory_space<vmem>> -> memref<128xi32, #tpu.memory_space<vmem>>
        %dma_start3A_70 = arith.constant 0 : i32
        %dma_start3A_71 = arith.constant 0 : i32
        %dma_start3A_72 = tpu.memref_slice %arg10[%dma_start3A_70, %dma_start3A_71] : memref<10240x128xf32, #tpu.memory_space<vmem_shared>> -> memref<10240x128xf32, #tpu.memory_space<vmem_shared>>
        tpu.enqueue_indirect_dma source(%arg8 : memref<128x128xf32, #tpu.memory_space<vmem>>) target(%dma_start3A_72 : memref<10240x128xf32, #tpu.memory_space<vmem_shared>>) offsets(%dma_start3A_69 : memref<128xi32, #tpu.memory_space<vmem>>) semaphore(%arg13 : memref<!tpu.dma_semaphore, #tpu.memory_space<semaphore_mem>>) {add = true}
        %add3A_73 = arith.constant 1 : i32
        %add3A_74 = arith.addi %mul3A_50, %add3A_73 : i32
        %dma_wait3A_75 = arith.constant 0 : i32
        %dma_wait3A_76 = tpu.memref_slice %arg6[%add3A_74, %dma_wait3A_75] : memref<40x128xi32, #tpu.memory_space<vmem>> -> memref<1x128xi32, #tpu.memory_space<vmem>>
        %dma_wait3A_77 = tpu.memref_squeeze %dma_wait3A_76 : memref<1x128xi32, #tpu.memory_space<vmem>> -> memref<128xi32, #tpu.memory_space<vmem>>
        %dma_wait3A_78 = arith.constant 0 : i32
        %dma_wait3A_79 = arith.constant 0 : i32
        %dma_wait3A_80 = tpu.memref_slice %arg2[%dma_wait3A_78, %dma_wait3A_79] : memref<10240x128xf32, #tpu.memory_space<hbm>> -> memref<10240x128xf32, #tpu.memory_space<hbm>>
        tpu.wait_indirect_dma semaphore(%arg12 : memref<!tpu.dma_semaphore, #tpu.memory_space<semaphore_mem>>) src(%dma_wait3A_80 : memref<10240x128xf32, #tpu.memory_space<hbm>>) dst(%arg9 : memref<128x128xf32, #tpu.memory_space<vmem>>)
        %dma_wait3A_81 = arith.constant 0 : i32
        %dma_wait3A_82 = tpu.memref_slice %arg7[%mul3A_50, %dma_wait3A_81] : memref<40x128xi32, #tpu.memory_space<vmem>> -> memref<1x128xi32, #tpu.memory_space<vmem>>
        %dma_wait3A_83 = tpu.memref_squeeze %dma_wait3A_82 : memref<1x128xi32, #tpu.memory_space<vmem>> -> memref<128xi32, #tpu.memory_space<vmem>>
        %dma_wait3A_84 = arith.constant 0 : i32
        %dma_wait3A_85 = arith.constant 0 : i32
        %dma_wait3A_86 = tpu.memref_slice %arg10[%dma_wait3A_84, %dma_wait3A_85] : memref<10240x128xf32, #tpu.memory_space<vmem_shared>> -> memref<10240x128xf32, #tpu.memory_space<vmem_shared>>
        tpu.wait_indirect_dma semaphore(%arg13 : memref<!tpu.dma_semaphore, #tpu.memory_space<semaphore_mem>>) src(%arg8 : memref<128x128xf32, #tpu.memory_space<vmem>>) dst(%dma_wait3A_86 : memref<10240x128xf32, #tpu.memory_space<vmem_shared>>)
        %lt3A = arith.constant 19 : i32
        %lt3A_87 = arith.cmpi slt, %add3A_48, %lt3A : i32
        %convert_element_type3A_88 = arith.extui %lt3A_87 : i1 to i32
        %cond3A_89 = arith.constant 0 : i32
        %cond3A_90 = arith.cmpi ne, %convert_element_type3A_88, %cond3A_89 : i32
        scf.if %cond3A_90 {
          %add3A_99 = arith.constant 2 : i32
          %add3A_100 = arith.addi %mul3A_50, %add3A_99 : i32
          %dma_start3A_101 = arith.constant 0 : i32
          %dma_start3A_102 = tpu.memref_slice %arg6[%add3A_100, %dma_start3A_101] : memref<40x128xi32, #tpu.memory_space<vmem>> -> memref<1x128xi32, #tpu.memory_space<vmem>>
          %dma_start3A_103 = tpu.memref_squeeze %dma_start3A_102 : memref<1x128xi32, #tpu.memory_space<vmem>> -> memref<128xi32, #tpu.memory_space<vmem>>
          %dma_start3A_104 = arith.constant 0 : i32
          %dma_start3A_105 = arith.constant 0 : i32
          %dma_start3A_106 = tpu.memref_slice %arg2[%dma_start3A_104, %dma_start3A_105] : memref<10240x128xf32, #tpu.memory_space<hbm>> -> memref<10240x128xf32, #tpu.memory_space<hbm>>
          tpu.enqueue_indirect_dma source(%dma_start3A_106 : memref<10240x128xf32, #tpu.memory_space<hbm>>) target(%arg8 : memref<128x128xf32, #tpu.memory_space<vmem>>) offsets(%dma_start3A_103 : memref<128xi32, #tpu.memory_space<vmem>>) semaphore(%arg11 : memref<!tpu.dma_semaphore, #tpu.memory_space<semaphore_mem>>)
        } else {
        }
        %add3A_91 = arith.constant 1 : i32
        %add3A_92 = arith.addi %mul3A_50, %add3A_91 : i32
        %dma_start3A_93 = arith.constant 0 : i32
        %dma_start3A_94 = tpu.memref_slice %arg7[%add3A_92, %dma_start3A_93] : memref<40x128xi32, #tpu.memory_space<vmem>> -> memref<1x128xi32, #tpu.memory_space<vmem>>
        %dma_start3A_95 = tpu.memref_squeeze %dma_start3A_94 : memref<1x128xi32, #tpu.memory_space<vmem>> -> memref<128xi32, #tpu.memory_space<vmem>>
        %dma_start3A_96 = arith.constant 0 : i32
        %dma_start3A_97 = arith.constant 0 : i32
        %dma_start3A_98 = tpu.memref_slice %arg10[%dma_start3A_96, %dma_start3A_97] : memref<10240x128xf32, #tpu.memory_space<vmem_shared>> -> memref<10240x128xf32, #tpu.memory_space<vmem_shared>>
        tpu.enqueue_indirect_dma source(%arg9 : memref<128x128xf32, #tpu.memory_space<vmem>>) target(%dma_start3A_98 : memref<10240x128xf32, #tpu.memory_space<vmem_shared>>) offsets(%dma_start3A_95 : memref<128xi32, #tpu.memory_space<vmem>>) semaphore(%arg14 : memref<!tpu.dma_semaphore, #tpu.memory_space<semaphore_mem>>) {add = true}
      }
      %scan3A_37 = arith.constant 20 : i32
      %dma_wait3A = arith.constant 39 : i32
      %dma_wait3A_38 = arith.constant 0 : i32
      %dma_wait3A_39 = tpu.memref_slice %arg7[%dma_wait3A, %dma_wait3A_38] : memref<40x128xi32, #tpu.memory_space<vmem>> -> memref<1x128xi32, #tpu.memory_space<vmem>>
      %dma_wait3A_40 = tpu.memref_squeeze %dma_wait3A_39 : memref<1x128xi32, #tpu.memory_space<vmem>> -> memref<128xi32, #tpu.memory_space<vmem>>
      %dma_wait3A_41 = arith.constant 0 : i32
      %dma_wait3A_42 = arith.constant 0 : i32
      %dma_wait3A_43 = tpu.memref_slice %arg10[%dma_wait3A_41, %dma_wait3A_42] : memref<10240x128xf32, #tpu.memory_space<vmem_shared>> -> memref<10240x128xf32, #tpu.memory_space<vmem_shared>>
      tpu.wait_indirect_dma semaphore(%arg14 : memref<!tpu.dma_semaphore, #tpu.memory_space<semaphore_mem>>) src(%arg9 : memref<128x128xf32, #tpu.memory_space<vmem>>) dst(%dma_wait3A_43 : memref<10240x128xf32, #tpu.memory_space<vmem_shared>>)
    }
    %scan3A_15 = arith.constant 2 : i32
    %barrier3A_16 = arith.constant 0 : index
    tpu.barrier barrier_id(%barrier3A_16)
    %scan3A_17 = arith.constant 0 : i32
    %scan3A_18 = arith.constant 5 : i32
    %scan3A_19 = arith.addi %scan3A_17, %scan3A_18 : i32
    %scan3A_20 = arith.constant 1 : i32
    scf.for %scan3A_22 = %scan3A_17 to %scan3A_19 step %scan3A_20  : i32 {
      %mul3A_23 = arith.constant 1 : i32
      %mul3A_24 = arith.muli %scan3A_22, %mul3A_23 : i32
      %add3A_25 = arith.constant 0 : i32
      %add3A_26 = arith.addi %add3A_25, %mul3A_24 : i32
      %mul3A_27 = arith.constant 5 : i32
      %mul3A_28 = arith.muli %arg1, %mul3A_27 : i32
      %add3A_29 = arith.addi %mul3A_28, %add3A_26 : i32
      %mul3A_30 = arith.constant 128 : i32
      %mul3A_31 = arith.muli %add3A_29, %mul3A_30 : i32
      "tpu.region"() ({
        %run_scoped3A = tpu.sem_alloc : memref<!tpu.dma_semaphore, #tpu.memory_space<semaphore_mem>>
        %dma_start3A = arith.constant 0 : i32
        %dma_start3A_32 = arith.constant 0 : i32
        %dma_start3A_33 = tpu.memref_slice %arg5[%arg0, %dma_start3A, %dma_start3A_32] : memref<2x10240x128xf32, #tpu.memory_space<hbm>> -> memref<1x10240x128xf32, #tpu.memory_space<hbm>>
        %dma_start3A_34 = tpu.memref_squeeze %dma_start3A_33 : memref<1x10240x128xf32, #tpu.memory_space<hbm>> -> memref<10240x128xf32, #tpu.memory_space<hbm>>
        %dma_start3A_35 = arith.constant 0 : i32
        %dma_start3A_36 = tpu.memref_slice %dma_start3A_34[%mul3A_31, %dma_start3A_35] : memref<10240x128xf32, #tpu.memory_space<hbm>> -> memref<128x128xf32, #tpu.memory_space<hbm>>
        %dma_start3A_37 = arith.constant 0 : i32
        %dma_start3A_38 = tpu.memref_slice %arg10[%mul3A_31, %dma_start3A_37] : memref<10240x128xf32, #tpu.memory_space<vmem_shared>> -> memref<128x128xf32, #tpu.memory_space<vmem_shared>>
        tpu.enqueue_dma source(%dma_start3A_38 : memref<128x128xf32, #tpu.memory_space<vmem_shared>>) target(%dma_start3A_36 : memref<128x128xf32, #tpu.memory_space<hbm>>) target_semaphore(%run_scoped3A : memref<!tpu.dma_semaphore, #tpu.memory_space<semaphore_mem>>)
        %dma_wait3A = arith.constant 0 : i32
        %dma_wait3A_39 = arith.constant 0 : i32
        %dma_wait3A_40 = tpu.memref_slice %arg5[%arg0, %dma_wait3A, %dma_wait3A_39] : memref<2x10240x128xf32, #tpu.memory_space<hbm>> -> memref<1x10240x128xf32, #tpu.memory_space<hbm>>
        %dma_wait3A_41 = tpu.memref_squeeze %dma_wait3A_40 : memref<1x10240x128xf32, #tpu.memory_space<hbm>> -> memref<10240x128xf32, #tpu.memory_space<hbm>>
        %dma_wait3A_42 = arith.constant 0 : i32
        %dma_wait3A_43 = tpu.memref_slice %dma_wait3A_41[%mul3A_31, %dma_wait3A_42] : memref<10240x128xf32, #tpu.memory_space<hbm>> -> memref<128x128xf32, #tpu.memory_space<hbm>>
        %dma_wait3A_44 = arith.constant 0 : i32
        %dma_wait3A_45 = tpu.memref_slice %arg10[%mul3A_31, %dma_wait3A_44] : memref<10240x128xf32, #tpu.memory_space<vmem_shared>> -> memref<128x128xf32, #tpu.memory_space<vmem_shared>>
        tpu.wait_dma2 semaphore(%run_scoped3A : memref<!tpu.dma_semaphore, #tpu.memory_space<semaphore_mem>>) src(%dma_wait3A_45 : memref<128x128xf32, #tpu.memory_space<vmem_shared>>) dst(%dma_wait3A_43 : memref<128x128xf32, #tpu.memory_space<hbm>>)
        tpu.yield
      }) : () -> ()
    }
    %scan3A_21 = arith.constant 5 : i32
    return
  }
}

#map = affine_map<(d0, d1) -> (0, 0)>
#map1 = affine_map<(d0, d1) -> (0, 0, 0, 0)>
#map2 = affine_map<(d0, d1) -> (0, 0, 0)>
module attributes {stable_mosaic.version = 14 : i64} {
  func.func @_seg_body(%arg0: i32, %arg1: i32, %arg2: memref<10240x128xf32, #tpu.memory_space<hbm>>, %arg3: memref<32x2x40x128xi32, #tpu.memory_space<hbm>>, %arg4: memref<32x2x40x128xi32, #tpu.memory_space<hbm>>, %arg5: memref<2x10240x128xf32, #tpu.memory_space<hbm>>, %arg6: memref<40x128xi32, #tpu.memory_space<vmem>>, %arg7: memref<40x128xi32, #tpu.memory_space<vmem>>, %arg8: memref<128x128xf32, #tpu.memory_space<vmem>>, %arg9: memref<128x128xf32, #tpu.memory_space<vmem>>, %arg10: memref<10240x128xf32, #tpu.memory_space<vmem_shared>>, %arg11: memref<!tpu.dma_semaphore, #tpu.memory_space<semaphore_mem>>, %arg12: memref<!tpu.dma_semaphore, #tpu.memory_space<semaphore_mem>>, %arg13: memref<!tpu.dma_semaphore, #tpu.memory_space<semaphore_mem>>, %arg14: memref<!tpu.dma_semaphore, #tpu.memory_space<semaphore_mem>>) attributes {dimension_semantics = [#tpu.dimension_semantics<core_parallel>, #tpu.dimension_semantics<subcore_parallel>], iteration_bounds = array<i64: 2, 16>, scalar_prefetch = 0 : i64, scratch_operands = 9 : i64, tpu.core_type = #tpu.core_type<sc_vector_subcore>, window_params = [{transform_indices = #map}, {transform_indices = #map1}, {transform_indices = #map1}, {transform_indices = #map2}]} {
    %mul3A = arith.constant 2 : i32
    %mul3A_0 = arith.muli %arg1, %mul3A : i32
    %add3A = arith.addi %mul3A_0, %arg0 : i32
    %broadcast_in_dim3A = arith.constant 0.000000e+00 : f32
    %broadcast_in_dim3A_1 = vector.broadcast %broadcast_in_dim3A : f32 to vector<16xf32>
    %scan3A = arith.constant 0 : i32
    %scan3A_2 = arith.constant 128 : i32
    %scan3A_3 = arith.addi %scan3A, %scan3A_2 : i32
    %scan3A_4 = arith.constant 1 : i32
    scf.for %scan3A_22 = %scan3A to %scan3A_3 step %scan3A_4  : i32 {
      %mul3A_23 = arith.constant 1 : i32
      %mul3A_24 = arith.muli %scan3A_22, %mul3A_23 : i32
      %add3A_25 = arith.constant 0 : i32
      %add3A_26 = arith.addi %add3A_25, %mul3A_24 : i32
      %scan3A_27 = arith.constant 0 : i32
      %scan3A_28 = arith.constant 8 : i32
      %scan3A_29 = arith.addi %scan3A_27, %scan3A_28 : i32
      %scan3A_30 = arith.constant 1 : i32
      scf.for %scan3A_32 = %scan3A_27 to %scan3A_29 step %scan3A_30  : i32 {
        %mul3A_33 = arith.constant 16 : i32
        %mul3A_34 = arith.muli %scan3A_32, %mul3A_33 : i32
        %add3A_35 = arith.constant 0 : i32
        %add3A_36 = arith.addi %add3A_35, %mul3A_34 : i32
        %swap3A = arith.index_cast %add3A_26 : i32 to index
        %swap3A_37 = arith.index_cast %add3A_36 : i32 to index
        %swap3A_38 = tpu.vector_load %arg8[%swap3A, %swap3A_37] {strides = array<i32>} : memref<128x128xf32, #tpu.memory_space<vmem>>, vector<1x16xf32>,
        %swap3A_39 = vector.shape_cast %swap3A_38 : vector<1x16xf32> to vector<16xf32>
        %swap3A_40 = vector.shape_cast %broadcast_in_dim3A_1 : vector<16xf32> to vector<1x16xf32>
        tpu.vector_store %arg8[%swap3A, %swap3A_37], %swap3A_40 {strides = array<i32>} : memref<128x128xf32, #tpu.memory_space<vmem>>, vector<1x16xf32>,
      }
      %scan3A_31 = arith.constant 8 : i32
    }
    %scan3A_5 = arith.constant 128 : i32
    %scan3A_6 = arith.constant 0 : i32
    %scan3A_7 = arith.constant 5 : i32
    %scan3A_8 = arith.addi %scan3A_6, %scan3A_7 : i32
    %scan3A_9 = arith.constant 1 : i32
    scf.for %scan3A_22 = %scan3A_6 to %scan3A_8 step %scan3A_9  : i32 {
      %mul3A_23 = arith.constant 1 : i32
      %mul3A_24 = arith.muli %scan3A_22, %mul3A_23 : i32
      %add3A_25 = arith.constant 0 : i32
      %add3A_26 = arith.addi %add3A_25, %mul3A_24 : i32
      %mul3A_27 = arith.constant 5 : i32
      %mul3A_28 = arith.muli %arg1, %mul3A_27 : i32
      %add3A_29 = arith.addi %mul3A_28, %add3A_26 : i32
      %mul3A_30 = arith.constant 128 : i32
      %mul3A_31 = arith.muli %add3A_29, %mul3A_30 : i32
      "tpu.region"() ({
        %run_scoped3A = tpu.sem_alloc : memref<!tpu.dma_semaphore, #tpu.memory_space<semaphore_mem>>
        %dma_start3A = arith.constant 0 : i32
        %dma_start3A_32 = tpu.memref_slice %arg10[%mul3A_31, %dma_start3A] : memref<10240x128xf32, #tpu.memory_space<vmem_shared>> -> memref<128x128xf32, #tpu.memory_space<vmem_shared>>
        %dma_start3A_33 = arith.constant 0 : i32
        %dma_start3A_34 = tpu.memref_slice %arg10[%mul3A_31, %dma_start3A_33] : memref<10240x128xf32, #tpu.memory_space<vmem_shared>> -> memref<128x128xf32, #tpu.memory_space<vmem_shared>>
        tpu.enqueue_dma source(%arg8 : memref<128x128xf32, #tpu.memory_space<vmem>>) target(%dma_start3A_34 : memref<128x128xf32, #tpu.memory_space<vmem_shared>>) target_semaphore(%run_scoped3A : memref<!tpu.dma_semaphore, #tpu.memory_space<semaphore_mem>>)
        %dma_wait3A = arith.constant 0 : i32
        %dma_wait3A_35 = tpu.memref_slice %arg10[%mul3A_31, %dma_wait3A] : memref<10240x128xf32, #tpu.memory_space<vmem_shared>> -> memref<128x128xf32, #tpu.memory_space<vmem_shared>>
        %dma_wait3A_36 = arith.constant 0 : i32
        %dma_wait3A_37 = tpu.memref_slice %arg10[%mul3A_31, %dma_wait3A_36] : memref<10240x128xf32, #tpu.memory_space<vmem_shared>> -> memref<128x128xf32, #tpu.memory_space<vmem_shared>>
        tpu.wait_dma2 semaphore(%run_scoped3A : memref<!tpu.dma_semaphore, #tpu.memory_space<semaphore_mem>>) src(%arg8 : memref<128x128xf32, #tpu.memory_space<vmem>>) dst(%dma_wait3A_37 : memref<128x128xf32, #tpu.memory_space<vmem_shared>>)
        tpu.yield
      }) : () -> ()
    }
    %scan3A_10 = arith.constant 5 : i32
    %barrier3A = arith.constant 0 : index
    tpu.barrier barrier_id(%barrier3A)
    %scan3A_11 = arith.constant 0 : i32
    %scan3A_12 = arith.constant 2 : i32
    %scan3A_13 = arith.addi %scan3A_11, %scan3A_12 : i32
    %scan3A_14 = arith.constant 1 : i32
    scf.for %scan3A_22 = %scan3A_11 to %scan3A_13 step %scan3A_14  : i32 {
      %mul3A_23 = arith.constant 1 : i32
      %mul3A_24 = arith.muli %scan3A_22, %mul3A_23 : i32
      %add3A_25 = arith.constant 0 : i32
      %add3A_26 = arith.addi %add3A_25, %mul3A_24 : i32
      "tpu.region"() ({
        %run_scoped3A = tpu.sem_alloc : memref<!tpu.dma_semaphore, #tpu.memory_space<semaphore_mem>>
        %dma_start3A_44 = arith.constant 0 : i32
        %dma_start3A_45 = arith.constant 0 : i32
        %dma_start3A_46 = arith.constant 0 : i32
        %dma_start3A_47 = tpu.memref_slice %arg3[%add3A, %dma_start3A_44, %dma_start3A_45, %dma_start3A_46] : memref<32x2x40x128xi32, #tpu.memory_space<hbm>> -> memref<1x2x40x128xi32, #tpu.memory_space<hbm>>
        %dma_start3A_48 = tpu.memref_squeeze %dma_start3A_47 : memref<1x2x40x128xi32, #tpu.memory_space<hbm>> -> memref<2x40x128xi32, #tpu.memory_space<hbm>>
        %dma_start3A_49 = arith.constant 0 : i32
        %dma_start3A_50 = arith.constant 0 : i32
        %dma_start3A_51 = tpu.memref_slice %dma_start3A_48[%add3A_26, %dma_start3A_49, %dma_start3A_50] : memref<2x40x128xi32, #tpu.memory_space<hbm>> -> memref<1x40x128xi32, #tpu.memory_space<hbm>>
        %dma_start3A_52 = tpu.memref_squeeze %dma_start3A_51 : memref<1x40x128xi32, #tpu.memory_space<hbm>> -> memref<40x128xi32, #tpu.memory_space<hbm>>
        %dma_start3A_53 = arith.constant 0 : i32
        %dma_start3A_54 = arith.constant 0 : i32
        %dma_start3A_55 = arith.constant 0 : i32
        %dma_start3A_56 = tpu.memref_slice %arg3[%add3A, %dma_start3A_53, %dma_start3A_54, %dma_start3A_55] : memref<32x2x40x128xi32, #tpu.memory_space<hbm>> -> memref<1x2x40x128xi32, #tpu.memory_space<hbm>>
        %dma_start3A_57 = tpu.memref_squeeze %dma_start3A_56 : memref<1x2x40x128xi32, #tpu.memory_space<hbm>> -> memref<2x40x128xi32, #tpu.memory_space<hbm>>
        %dma_start3A_58 = arith.constant 0 : i32
        %dma_start3A_59 = arith.constant 0 : i32
        %dma_start3A_60 = tpu.memref_slice %dma_start3A_57[%add3A_26, %dma_start3A_58, %dma_start3A_59] : memref<2x40x128xi32, #tpu.memory_space<hbm>> -> memref<1x40x128xi32, #tpu.memory_space<hbm>>
        %dma_start3A_61 = tpu.memref_squeeze %dma_start3A_60 : memref<1x40x128xi32, #tpu.memory_space<hbm>> -> memref<40x128xi32, #tpu.memory_space<hbm>>
        tpu.enqueue_dma source(%dma_start3A_61 : memref<40x128xi32, #tpu.memory_space<hbm>>) target(%arg6 : memref<40x128xi32, #tpu.memory_space<vmem>>) target_semaphore(%run_scoped3A : memref<!tpu.dma_semaphore, #tpu.memory_space<semaphore_mem>>)
        %dma_wait3A_62 = arith.constant 0 : i32
        %dma_wait3A_63 = arith.constant 0 : i32
        %dma_wait3A_64 = arith.constant 0 : i32
        %dma_wait3A_65 = tpu.memref_slice %arg3[%add3A, %dma_wait3A_62, %dma_wait3A_63, %dma_wait3A_64] : memref<32x2x40x128xi32, #tpu.memory_space<hbm>> -> memref<1x2x40x128xi32, #tpu.memory_space<hbm>>
        %dma_wait3A_66 = tpu.memref_squeeze %dma_wait3A_65 : memref<1x2x40x128xi32, #tpu.memory_space<hbm>> -> memref<2x40x128xi32, #tpu.memory_space<hbm>>
        %dma_wait3A_67 = arith.constant 0 : i32
        %dma_wait3A_68 = arith.constant 0 : i32
        %dma_wait3A_69 = tpu.memref_slice %dma_wait3A_66[%add3A_26, %dma_wait3A_67, %dma_wait3A_68] : memref<2x40x128xi32, #tpu.memory_space<hbm>> -> memref<1x40x128xi32, #tpu.memory_space<hbm>>
        %dma_wait3A_70 = tpu.memref_squeeze %dma_wait3A_69 : memref<1x40x128xi32, #tpu.memory_space<hbm>> -> memref<40x128xi32, #tpu.memory_space<hbm>>
        %dma_wait3A_71 = arith.constant 0 : i32
        %dma_wait3A_72 = arith.constant 0 : i32
        %dma_wait3A_73 = arith.constant 0 : i32
        %dma_wait3A_74 = tpu.memref_slice %arg3[%add3A, %dma_wait3A_71, %dma_wait3A_72, %dma_wait3A_73] : memref<32x2x40x128xi32, #tpu.memory_space<hbm>> -> memref<1x2x40x128xi32, #tpu.memory_space<hbm>>
        %dma_wait3A_75 = tpu.memref_squeeze %dma_wait3A_74 : memref<1x2x40x128xi32, #tpu.memory_space<hbm>> -> memref<2x40x128xi32, #tpu.memory_space<hbm>>
        %dma_wait3A_76 = arith.constant 0 : i32
        %dma_wait3A_77 = arith.constant 0 : i32
        %dma_wait3A_78 = tpu.memref_slice %dma_wait3A_75[%add3A_26, %dma_wait3A_76, %dma_wait3A_77] : memref<2x40x128xi32, #tpu.memory_space<hbm>> -> memref<1x40x128xi32, #tpu.memory_space<hbm>>
        %dma_wait3A_79 = tpu.memref_squeeze %dma_wait3A_78 : memref<1x40x128xi32, #tpu.memory_space<hbm>> -> memref<40x128xi32, #tpu.memory_space<hbm>>
        tpu.wait_dma2 semaphore(%run_scoped3A : memref<!tpu.dma_semaphore, #tpu.memory_space<semaphore_mem>>) src(%dma_wait3A_79 : memref<40x128xi32, #tpu.memory_space<hbm>>) dst(%arg6 : memref<40x128xi32, #tpu.memory_space<vmem>>)
        tpu.yield
      }) : () -> ()
      "tpu.region"() ({
        %run_scoped3A = tpu.sem_alloc : memref<!tpu.dma_semaphore, #tpu.memory_space<semaphore_mem>>
        %dma_start3A_44 = arith.constant 0 : i32
        %dma_start3A_45 = arith.constant 0 : i32
        %dma_start3A_46 = arith.constant 0 : i32
        %dma_start3A_47 = tpu.memref_slice %arg4[%add3A, %dma_start3A_44, %dma_start3A_45, %dma_start3A_46] : memref<32x2x40x128xi32, #tpu.memory_space<hbm>> -> memref<1x2x40x128xi32, #tpu.memory_space<hbm>>
        %dma_start3A_48 = tpu.memref_squeeze %dma_start3A_47 : memref<1x2x40x128xi32, #tpu.memory_space<hbm>> -> memref<2x40x128xi32, #tpu.memory_space<hbm>>
        %dma_start3A_49 = arith.constant 0 : i32
        %dma_start3A_50 = arith.constant 0 : i32
        %dma_start3A_51 = tpu.memref_slice %dma_start3A_48[%add3A_26, %dma_start3A_49, %dma_start3A_50] : memref<2x40x128xi32, #tpu.memory_space<hbm>> -> memref<1x40x128xi32, #tpu.memory_space<hbm>>
        %dma_start3A_52 = tpu.memref_squeeze %dma_start3A_51 : memref<1x40x128xi32, #tpu.memory_space<hbm>> -> memref<40x128xi32, #tpu.memory_space<hbm>>
        %dma_start3A_53 = arith.constant 0 : i32
        %dma_start3A_54 = arith.constant 0 : i32
        %dma_start3A_55 = arith.constant 0 : i32
        %dma_start3A_56 = tpu.memref_slice %arg4[%add3A, %dma_start3A_53, %dma_start3A_54, %dma_start3A_55] : memref<32x2x40x128xi32, #tpu.memory_space<hbm>> -> memref<1x2x40x128xi32, #tpu.memory_space<hbm>>
        %dma_start3A_57 = tpu.memref_squeeze %dma_start3A_56 : memref<1x2x40x128xi32, #tpu.memory_space<hbm>> -> memref<2x40x128xi32, #tpu.memory_space<hbm>>
        %dma_start3A_58 = arith.constant 0 : i32
        %dma_start3A_59 = arith.constant 0 : i32
        %dma_start3A_60 = tpu.memref_slice %dma_start3A_57[%add3A_26, %dma_start3A_58, %dma_start3A_59] : memref<2x40x128xi32, #tpu.memory_space<hbm>> -> memref<1x40x128xi32, #tpu.memory_space<hbm>>
        %dma_start3A_61 = tpu.memref_squeeze %dma_start3A_60 : memref<1x40x128xi32, #tpu.memory_space<hbm>> -> memref<40x128xi32, #tpu.memory_space<hbm>>
        tpu.enqueue_dma source(%dma_start3A_61 : memref<40x128xi32, #tpu.memory_space<hbm>>) target(%arg7 : memref<40x128xi32, #tpu.memory_space<vmem>>) target_semaphore(%run_scoped3A : memref<!tpu.dma_semaphore, #tpu.memory_space<semaphore_mem>>)
        %dma_wait3A_62 = arith.constant 0 : i32
        %dma_wait3A_63 = arith.constant 0 : i32
        %dma_wait3A_64 = arith.constant 0 : i32
        %dma_wait3A_65 = tpu.memref_slice %arg4[%add3A, %dma_wait3A_62, %dma_wait3A_63, %dma_wait3A_64] : memref<32x2x40x128xi32, #tpu.memory_space<hbm>> -> memref<1x2x40x128xi32, #tpu.memory_space<hbm>>
        %dma_wait3A_66 = tpu.memref_squeeze %dma_wait3A_65 : memref<1x2x40x128xi32, #tpu.memory_space<hbm>> -> memref<2x40x128xi32, #tpu.memory_space<hbm>>
        %dma_wait3A_67 = arith.constant 0 : i32
        %dma_wait3A_68 = arith.constant 0 : i32
        %dma_wait3A_69 = tpu.memref_slice %dma_wait3A_66[%add3A_26, %dma_wait3A_67, %dma_wait3A_68] : memref<2x40x128xi32, #tpu.memory_space<hbm>> -> memref<1x40x128xi32, #tpu.memory_space<hbm>>
        %dma_wait3A_70 = tpu.memref_squeeze %dma_wait3A_69 : memref<1x40x128xi32, #tpu.memory_space<hbm>> -> memref<40x128xi32, #tpu.memory_space<hbm>>
        %dma_wait3A_71 = arith.constant 0 : i32
        %dma_wait3A_72 = arith.constant 0 : i32
        %dma_wait3A_73 = arith.constant 0 : i32
        %dma_wait3A_74 = tpu.memref_slice %arg4[%add3A, %dma_wait3A_71, %dma_wait3A_72, %dma_wait3A_73] : memref<32x2x40x128xi32, #tpu.memory_space<hbm>> -> memref<1x2x40x128xi32, #tpu.memory_space<hbm>>
        %dma_wait3A_75 = tpu.memref_squeeze %dma_wait3A_74 : memref<1x2x40x128xi32, #tpu.memory_space<hbm>> -> memref<2x40x128xi32, #tpu.memory_space<hbm>>
        %dma_wait3A_76 = arith.constant 0 : i32
        %dma_wait3A_77 = arith.constant 0 : i32
        %dma_wait3A_78 = tpu.memref_slice %dma_wait3A_75[%add3A_26, %dma_wait3A_76, %dma_wait3A_77] : memref<2x40x128xi32, #tpu.memory_space<hbm>> -> memref<1x40x128xi32, #tpu.memory_space<hbm>>
        %dma_wait3A_79 = tpu.memref_squeeze %dma_wait3A_78 : memref<1x40x128xi32, #tpu.memory_space<hbm>> -> memref<40x128xi32, #tpu.memory_space<hbm>>
        tpu.wait_dma2 semaphore(%run_scoped3A : memref<!tpu.dma_semaphore, #tpu.memory_space<semaphore_mem>>) src(%dma_wait3A_79 : memref<40x128xi32, #tpu.memory_space<hbm>>) dst(%arg7 : memref<40x128xi32, #tpu.memory_space<vmem>>)
        tpu.yield
      }) : () -> ()
      %dma_start3A = arith.constant 0 : i32
      %dma_start3A_27 = arith.constant 0 : i32
      %dma_start3A_28 = tpu.memref_slice %arg6[%dma_start3A, %dma_start3A_27] : memref<40x128xi32, #tpu.memory_space<vmem>> -> memref<1x128xi32, #tpu.memory_space<vmem>>
      %dma_start3A_29 = tpu.memref_squeeze %dma_start3A_28 : memref<1x128xi32, #tpu.memory_space<vmem>> -> memref<128xi32, #tpu.memory_space<vmem>>
      %dma_start3A_30 = arith.constant 0 : i32
      %dma_start3A_31 = arith.constant 0 : i32
      %dma_start3A_32 = tpu.memref_slice %arg2[%dma_start3A_30, %dma_start3A_31] : memref<10240x128xf32, #tpu.memory_space<hbm>> -> memref<10240x128xf32, #tpu.memory_space<hbm>>
      tpu.enqueue_indirect_dma source(%dma_start3A_32 : memref<10240x128xf32, #tpu.memory_space<hbm>>) target(%arg8 : memref<128x128xf32, #tpu.memory_space<vmem>>) offsets(%dma_start3A_29 : memref<128xi32, #tpu.memory_space<vmem>>) semaphore(%arg11 : memref<!tpu.dma_semaphore, #tpu.memory_space<semaphore_mem>>)
      %scan3A_33 = arith.constant 0 : i32
      %scan3A_34 = arith.constant 20 : i32
      %scan3A_35 = arith.addi %scan3A_33, %scan3A_34 : i32
      %scan3A_36 = arith.constant 1 : i32
      scf.for %scan3A_44 = %scan3A_33 to %scan3A_35 step %scan3A_36  : i32 {
        %mul3A_45 = arith.constant 1 : i32
        %mul3A_46 = arith.muli %scan3A_44, %mul3A_45 : i32
        %add3A_47 = arith.constant 0 : i32
        %add3A_48 = arith.addi %add3A_47, %mul3A_46 : i32
        %mul3A_49 = arith.constant 2 : i32
        %mul3A_50 = arith.muli %mul3A_49, %add3A_48 : i32
        %dma_wait3A_51 = arith.constant 0 : i32
        %dma_wait3A_52 = tpu.memref_slice %arg6[%mul3A_50, %dma_wait3A_51] : memref<40x128xi32, #tpu.memory_space<vmem>> -> memref<1x128xi32, #tpu.memory_space<vmem>>
        %dma_wait3A_53 = tpu.memref_squeeze %dma_wait3A_52 : memref<1x128xi32, #tpu.memory_space<vmem>> -> memref<128xi32, #tpu.memory_space<vmem>>
        %dma_wait3A_54 = arith.constant 0 : i32
        %dma_wait3A_55 = arith.constant 0 : i32
        %dma_wait3A_56 = tpu.memref_slice %arg2[%dma_wait3A_54, %dma_wait3A_55] : memref<10240x128xf32, #tpu.memory_space<hbm>> -> memref<10240x128xf32, #tpu.memory_space<hbm>>
        tpu.wait_indirect_dma semaphore(%arg11 : memref<!tpu.dma_semaphore, #tpu.memory_space<semaphore_mem>>) src(%dma_wait3A_56 : memref<10240x128xf32, #tpu.memory_space<hbm>>) dst(%arg8 : memref<128x128xf32, #tpu.memory_space<vmem>>)
        %gt3A = arith.constant 0 : i32
        %gt3A_57 = arith.cmpi sgt, %add3A_48, %gt3A : i32
        %convert_element_type3A = arith.extui %gt3A_57 : i1 to i32
        %cond3A = arith.constant 0 : i32
        %cond3A_58 = arith.cmpi ne, %convert_element_type3A, %cond3A : i32
        scf.if %cond3A_58 {
          %dma_wait3A_99 = arith.constant 0 : i32
          %dma_wait3A_100 = tpu.memref_slice %arg7[%mul3A_50, %dma_wait3A_99] : memref<40x128xi32, #tpu.memory_space<vmem>> -> memref<1x128xi32, #tpu.memory_space<vmem>>
          %dma_wait3A_101 = tpu.memref_squeeze %dma_wait3A_100 : memref<1x128xi32, #tpu.memory_space<vmem>> -> memref<128xi32, #tpu.memory_space<vmem>>
          %dma_wait3A_102 = arith.constant 0 : i32
          %dma_wait3A_103 = arith.constant 0 : i32
          %dma_wait3A_104 = tpu.memref_slice %arg10[%dma_wait3A_102, %dma_wait3A_103] : memref<10240x128xf32, #tpu.memory_space<vmem_shared>> -> memref<10240x128xf32, #tpu.memory_space<vmem_shared>>
          tpu.wait_indirect_dma semaphore(%arg14 : memref<!tpu.dma_semaphore, #tpu.memory_space<semaphore_mem>>) src(%arg9 : memref<128x128xf32, #tpu.memory_space<vmem>>) dst(%dma_wait3A_104 : memref<10240x128xf32, #tpu.memory_space<vmem_shared>>)
        } else {
        }
        %add3A_59 = arith.constant 1 : i32
        %add3A_60 = arith.addi %mul3A_50, %add3A_59 : i32
        %dma_start3A_61 = arith.constant 0 : i32
        %dma_start3A_62 = tpu.memref_slice %arg6[%add3A_60, %dma_start3A_61] : memref<40x128xi32, #tpu.memory_space<vmem>> -> memref<1x128xi32, #tpu.memory_space<vmem>>
        %dma_start3A_63 = tpu.memref_squeeze %dma_start3A_62 : memref<1x128xi32, #tpu.memory_space<vmem>> -> memref<128xi32, #tpu.memory_space<vmem>>
        %dma_start3A_64 = arith.constant 0 : i32
        %dma_start3A_65 = arith.constant 0 : i32
        %dma_start3A_66 = tpu.memref_slice %arg2[%dma_start3A_64, %dma_start3A_65] : memref<10240x128xf32, #tpu.memory_space<hbm>> -> memref<10240x128xf32, #tpu.memory_space<hbm>>
        tpu.enqueue_indirect_dma source(%dma_start3A_66 : memref<10240x128xf32, #tpu.memory_space<hbm>>) target(%arg9 : memref<128x128xf32, #tpu.memory_space<vmem>>) offsets(%dma_start3A_63 : memref<128xi32, #tpu.memory_space<vmem>>) semaphore(%arg12 : memref<!tpu.dma_semaphore, #tpu.memory_space<semaphore_mem>>)
        %dma_start3A_67 = arith.constant 0 : i32
        %dma_start3A_68 = tpu.memref_slice %arg7[%mul3A_50, %dma_start3A_67] : memref<40x128xi32, #tpu.memory_space<vmem>> -> memref<1x128xi32, #tpu.memory_space<vmem>>
        %dma_start3A_69 = tpu.memref_squeeze %dma_start3A_68 : memref<1x128xi32, #tpu.memory_space<vmem>> -> memref<128xi32, #tpu.memory_space<vmem>>
        %dma_start3A_70 = arith.constant 0 : i32
        %dma_start3A_71 = arith.constant 0 : i32
        %dma_start3A_72 = tpu.memref_slice %arg10[%dma_start3A_70, %dma_start3A_71] : memref<10240x128xf32, #tpu.memory_space<vmem_shared>> -> memref<10240x128xf32, #tpu.memory_space<vmem_shared>>
        tpu.enqueue_indirect_dma source(%arg8 : memref<128x128xf32, #tpu.memory_space<vmem>>) target(%dma_start3A_72 : memref<10240x128xf32, #tpu.memory_space<vmem_shared>>) offsets(%dma_start3A_69 : memref<128xi32, #tpu.memory_space<vmem>>) semaphore(%arg13 : memref<!tpu.dma_semaphore, #tpu.memory_space<semaphore_mem>>) {add = true}
        %add3A_73 = arith.constant 1 : i32
        %add3A_74 = arith.addi %mul3A_50, %add3A_73 : i32
        %dma_wait3A_75 = arith.constant 0 : i32
        %dma_wait3A_76 = tpu.memref_slice %arg6[%add3A_74, %dma_wait3A_75] : memref<40x128xi32, #tpu.memory_space<vmem>> -> memref<1x128xi32, #tpu.memory_space<vmem>>
        %dma_wait3A_77 = tpu.memref_squeeze %dma_wait3A_76 : memref<1x128xi32, #tpu.memory_space<vmem>> -> memref<128xi32, #tpu.memory_space<vmem>>
        %dma_wait3A_78 = arith.constant 0 : i32
        %dma_wait3A_79 = arith.constant 0 : i32
        %dma_wait3A_80 = tpu.memref_slice %arg2[%dma_wait3A_78, %dma_wait3A_79] : memref<10240x128xf32, #tpu.memory_space<hbm>> -> memref<10240x128xf32, #tpu.memory_space<hbm>>
        tpu.wait_indirect_dma semaphore(%arg12 : memref<!tpu.dma_semaphore, #tpu.memory_space<semaphore_mem>>) src(%dma_wait3A_80 : memref<10240x128xf32, #tpu.memory_space<hbm>>) dst(%arg9 : memref<128x128xf32, #tpu.memory_space<vmem>>)
        %dma_wait3A_81 = arith.constant 0 : i32
        %dma_wait3A_82 = tpu.memref_slice %arg7[%mul3A_50, %dma_wait3A_81] : memref<40x128xi32, #tpu.memory_space<vmem>> -> memref<1x128xi32, #tpu.memory_space<vmem>>
        %dma_wait3A_83 = tpu.memref_squeeze %dma_wait3A_82 : memref<1x128xi32, #tpu.memory_space<vmem>> -> memref<128xi32, #tpu.memory_space<vmem>>
        %dma_wait3A_84 = arith.constant 0 : i32
        %dma_wait3A_85 = arith.constant 0 : i32
        %dma_wait3A_86 = tpu.memref_slice %arg10[%dma_wait3A_84, %dma_wait3A_85] : memref<10240x128xf32, #tpu.memory_space<vmem_shared>> -> memref<10240x128xf32, #tpu.memory_space<vmem_shared>>
        tpu.wait_indirect_dma semaphore(%arg13 : memref<!tpu.dma_semaphore, #tpu.memory_space<semaphore_mem>>) src(%arg8 : memref<128x128xf32, #tpu.memory_space<vmem>>) dst(%dma_wait3A_86 : memref<10240x128xf32, #tpu.memory_space<vmem_shared>>)
        %lt3A = arith.constant 19 : i32
        %lt3A_87 = arith.cmpi slt, %add3A_48, %lt3A : i32
        %convert_element_type3A_88 = arith.extui %lt3A_87 : i1 to i32
        %cond3A_89 = arith.constant 0 : i32
        %cond3A_90 = arith.cmpi ne, %convert_element_type3A_88, %cond3A_89 : i32
        scf.if %cond3A_90 {
          %add3A_99 = arith.constant 2 : i32
          %add3A_100 = arith.addi %mul3A_50, %add3A_99 : i32
          %dma_start3A_101 = arith.constant 0 : i32
          %dma_start3A_102 = tpu.memref_slice %arg6[%add3A_100, %dma_start3A_101] : memref<40x128xi32, #tpu.memory_space<vmem>> -> memref<1x128xi32, #tpu.memory_space<vmem>>
          %dma_start3A_103 = tpu.memref_squeeze %dma_start3A_102 : memref<1x128xi32, #tpu.memory_space<vmem>> -> memref<128xi32, #tpu.memory_space<vmem>>
          %dma_start3A_104 = arith.constant 0 : i32
          %dma_start3A_105 = arith.constant 0 : i32
          %dma_start3A_106 = tpu.memref_slice %arg2[%dma_start3A_104, %dma_start3A_105] : memref<10240x128xf32, #tpu.memory_space<hbm>> -> memref<10240x128xf32, #tpu.memory_space<hbm>>
          tpu.enqueue_indirect_dma source(%dma_start3A_106 : memref<10240x128xf32, #tpu.memory_space<hbm>>) target(%arg8 : memref<128x128xf32, #tpu.memory_space<vmem>>) offsets(%dma_start3A_103 : memref<128xi32, #tpu.memory_space<vmem>>) semaphore(%arg11 : memref<!tpu.dma_semaphore, #tpu.memory_space<semaphore_mem>>)
        } else {
        }
        %add3A_91 = arith.constant 1 : i32
        %add3A_92 = arith.addi %mul3A_50, %add3A_91 : i32
        %dma_start3A_93 = arith.constant 0 : i32
        %dma_start3A_94 = tpu.memref_slice %arg7[%add3A_92, %dma_start3A_93] : memref<40x128xi32, #tpu.memory_space<vmem>> -> memref<1x128xi32, #tpu.memory_space<vmem>>
        %dma_start3A_95 = tpu.memref_squeeze %dma_start3A_94 : memref<1x128xi32, #tpu.memory_space<vmem>> -> memref<128xi32, #tpu.memory_space<vmem>>
        %dma_start3A_96 = arith.constant 0 : i32
        %dma_start3A_97 = arith.constant 0 : i32
        %dma_start3A_98 = tpu.memref_slice %arg10[%dma_start3A_96, %dma_start3A_97] : memref<10240x128xf32, #tpu.memory_space<vmem_shared>> -> memref<10240x128xf32, #tpu.memory_space<vmem_shared>>
        tpu.enqueue_indirect_dma source(%arg9 : memref<128x128xf32, #tpu.memory_space<vmem>>) target(%dma_start3A_98 : memref<10240x128xf32, #tpu.memory_space<vmem_shared>>) offsets(%dma_start3A_95 : memref<128xi32, #tpu.memory_space<vmem>>) semaphore(%arg14 : memref<!tpu.dma_semaphore, #tpu.memory_space<semaphore_mem>>) {add = true}
      }
      %scan3A_37 = arith.constant 20 : i32
      %dma_wait3A = arith.constant 39 : i32
      %dma_wait3A_38 = arith.constant 0 : i32
      %dma_wait3A_39 = tpu.memref_slice %arg7[%dma_wait3A, %dma_wait3A_38] : memref<40x128xi32, #tpu.memory_space<vmem>> -> memref<1x128xi32, #tpu.memory_space<vmem>>
      %dma_wait3A_40 = tpu.memref_squeeze %dma_wait3A_39 : memref<1x128xi32, #tpu.memory_space<vmem>> -> memref<128xi32, #tpu.memory_space<vmem>>
      %dma_wait3A_41 = arith.constant 0 : i32
      %dma_wait3A_42 = arith.constant 0 : i32
      %dma_wait3A_43 = tpu.memref_slice %arg10[%dma_wait3A_41, %dma_wait3A_42] : memref<10240x128xf32, #tpu.memory_space<vmem_shared>> -> memref<10240x128xf32, #tpu.memory_space<vmem_shared>>
      tpu.wait_indirect_dma semaphore(%arg14 : memref<!tpu.dma_semaphore, #tpu.memory_space<semaphore_mem>>) src(%arg9 : memref<128x128xf32, #tpu.memory_space<vmem>>) dst(%dma_wait3A_43 : memref<10240x128xf32, #tpu.memory_space<vmem_shared>>)
    }
    %scan3A_15 = arith.constant 2 : i32
    %barrier3A_16 = arith.constant 0 : index
    tpu.barrier barrier_id(%barrier3A_16)
    %scan3A_17 = arith.constant 0 : i32
    %scan3A_18 = arith.constant 5 : i32
    %scan3A_19 = arith.addi %scan3A_17, %scan3A_18 : i32
    %scan3A_20 = arith.constant 1 : i32
    scf.for %scan3A_22 = %scan3A_17 to %scan3A_19 step %scan3A_20  : i32 {
      %mul3A_23 = arith.constant 1 : i32
      %mul3A_24 = arith.muli %scan3A_22, %mul3A_23 : i32
      %add3A_25 = arith.constant 0 : i32
      %add3A_26 = arith.addi %add3A_25, %mul3A_24 : i32
      %mul3A_27 = arith.constant 5 : i32
      %mul3A_28 = arith.muli %arg1, %mul3A_27 : i32
      %add3A_29 = arith.addi %mul3A_28, %add3A_26 : i32
      %mul3A_30 = arith.constant 128 : i32
      %mul3A_31 = arith.muli %add3A_29, %mul3A_30 : i32
      "tpu.region"() ({
        %run_scoped3A = tpu.sem_alloc : memref<!tpu.dma_semaphore, #tpu.memory_space<semaphore_mem>>
        %dma_start3A = arith.constant 0 : i32
        %dma_start3A_32 = arith.constant 0 : i32
        %dma_start3A_33 = tpu.memref_slice %arg5[%arg0, %dma_start3A, %dma_start3A_32] : memref<2x10240x128xf32, #tpu.memory_space<hbm>> -> memref<1x10240x128xf32, #tpu.memory_space<hbm>>
        %dma_start3A_34 = tpu.memref_squeeze %dma_start3A_33 : memref<1x10240x128xf32, #tpu.memory_space<hbm>> -> memref<10240x128xf32, #tpu.memory_space<hbm>>
        %dma_start3A_35 = arith.constant 0 : i32
        %dma_start3A_36 = tpu.memref_slice %dma_start3A_34[%mul3A_31, %dma_start3A_35] : memref<10240x128xf32, #tpu.memory_space<hbm>> -> memref<128x128xf32, #tpu.memory_space<hbm>>
        %dma_start3A_37 = arith.constant 0 : i32
        %dma_start3A_38 = tpu.memref_slice %arg10[%mul3A_31, %dma_start3A_37] : memref<10240x128xf32, #tpu.memory_space<vmem_shared>> -> memref<128x128xf32, #tpu.memory_space<vmem_shared>>
        tpu.enqueue_dma source(%dma_start3A_38 : memref<128x128xf32, #tpu.memory_space<vmem_shared>>) target(%dma_start3A_36 : memref<128x128xf32, #tpu.memory_space<hbm>>) target_semaphore(%run_scoped3A : memref<!tpu.dma_semaphore, #tpu.memory_space<semaphore_mem>>)
        %dma_wait3A = arith.constant 0 : i32
        %dma_wait3A_39 = arith.constant 0 : i32
        %dma_wait3A_40 = tpu.memref_slice %arg5[%arg0, %dma_wait3A, %dma_wait3A_39] : memref<2x10240x128xf32, #tpu.memory_space<hbm>> -> memref<1x10240x128xf32, #tpu.memory_space<hbm>>
        %dma_wait3A_41 = tpu.memref_squeeze %dma_wait3A_40 : memref<1x10240x128xf32, #tpu.memory_space<hbm>> -> memref<10240x128xf32, #tpu.memory_space<hbm>>
        %dma_wait3A_42 = arith.constant 0 : i32
        %dma_wait3A_43 = tpu.memref_slice %dma_wait3A_41[%mul3A_31, %dma_wait3A_42] : memref<10240x128xf32, #tpu.memory_space<hbm>> -> memref<128x128xf32, #tpu.memory_space<hbm>>
        %dma_wait3A_44 = arith.constant 0 : i32
        %dma_wait3A_45 = tpu.memref_slice %arg10[%mul3A_31, %dma_wait3A_44] : memref<10240x128xf32, #tpu.memory_space<vmem_shared>> -> memref<128x128xf32, #tpu.memory_space<vmem_shared>>
        tpu.wait_dma2 semaphore(%run_scoped3A : memref<!tpu.dma_semaphore, #tpu.memory_space<semaphore_mem>>) src(%dma_wait3A_45 : memref<128x128xf32, #tpu.memory_space<vmem_shared>>) dst(%dma_wait3A_43 : memref<128x128xf32, #tpu.memory_space<hbm>>)
        tpu.yield
      }) : () -> ()
    }
    %scan3A_21 = arith.constant 5 : i32
    return
  }
}

module attributes {stable_mosaic.version = 14 : i64} {
  func.func @_tc1_body(%arg0: i32, %arg1: memref<256x128xf32, #tpu.memory_space<vmem>>, %arg2: memref<128x128xf32, #tpu.memory_space<vmem>>, %arg3: memref<2x256x128xf32, #tpu.memory_space<vmem>>, %arg4: memref<256x128xf32, #tpu.memory_space<vmem>>) attributes {dimension_semantics = [#tpu.dimension_semantics<arbitrary>], iteration_bounds = array<i64: 40>, scalar_prefetch = 0 : i64, scratch_operands = 0 : i64, tpu.core_type = #tpu.core_type<tc>, window_params = [{transform_indices = @transform_0, window_bounds = array<i64: 256, 128>}, {pipeline_mode = #tpu.pipeline_mode<synchronous>, transform_indices = @transform_1, window_bounds = array<i64: 128, 128>}, {transform_indices = @transform_2, window_bounds = array<i64: 2, 256, 128>}, {transform_indices = @transform_3, window_bounds = array<i64: 256, 128>}]} {
    %get3A = arith.constant 0 : index
    %get3A_0 = arith.constant 0 : index
    %get3A_1 = arith.constant 0 : index
    %get3A_2 = vector.load %arg3[%get3A, %get3A_0, %get3A_1] : memref<2x256x128xf32, #tpu.memory_space<vmem>>, vector<1x256x128xf32>
    %get3A_3 = vector.shape_cast %get3A_2 : vector<1x256x128xf32> to vector<256x128xf32>
    %get3A_4 = arith.constant 1 : index
    %get3A_5 = arith.constant 0 : index
    %get3A_6 = arith.constant 0 : index
    %get3A_7 = vector.load %arg3[%get3A_4, %get3A_5, %get3A_6] : memref<2x256x128xf32, #tpu.memory_space<vmem>>, vector<1x256x128xf32>
    %get3A_8 = vector.shape_cast %get3A_7 : vector<1x256x128xf32> to vector<256x128xf32>
    %add3A = arith.addf %get3A_3, %get3A_8 : vector<256x128xf32>
    %add3A_9 = arith.constant 1.000000e+00 : f32
    %add3A_10 = vector.broadcast %add3A_9 : f32 to vector<256x128xf32>
    %add3A_11 = arith.addf %add3A, %add3A_10 : vector<256x128xf32>
    %rsqrt3A = math.rsqrt %add3A_11 : vector<256x128xf32>
    %slice3A = vector.extract_strided_slice %rsqrt3A {offsets = [0, 0], sizes = [256, 1], strides = [1, 1]} : vector<256x128xf32> to vector<256x1xf32>
    %get3A_12 = arith.constant 0 : index
    %get3A_13 = arith.constant 0 : index
    %get3A_14 = vector.load %arg1[%get3A_12, %get3A_13] : memref<256x128xf32, #tpu.memory_space<vmem>>, vector<256x128xf32>
    %get3A_15 = arith.constant 0 : index
    %get3A_16 = arith.constant 0 : index
    %get3A_17 = vector.load %arg2[%get3A_15, %get3A_16] : memref<128x128xf32, #tpu.memory_space<vmem>>, vector<128x128xf32>
    %dot_general3A = arith.constant dense<0.000000e+00> : vector<256x128xf32>
    %dot_general3A_18 = tpu.matmul %get3A_14, %get3A_17, %dot_general3A {dimension_numbers = #tpu.dot_dimension_numbers<[1], [0], [0], [1], [0, 0, 1, 1], [], []>, transpose_lhs_hint = false} : vector<256x128xf32>, vector<128x128xf32>, vector<256x128xf32> -> vector<256x128xf32>
    %iota3A = tpu.iota {dimensions = array<i32: 0>} : vector<256x1xi32>
    %mul3A = arith.constant 256 : i32
    %mul3A_19 = arith.muli %arg0, %mul3A : i32
    %add3A_20 = vector.broadcast %mul3A_19 : i32 to vector<256x1xi32>
    %add3A_21 = arith.addi %iota3A, %add3A_20 : vector<256x1xi32>
    %lt3A = arith.constant 10000 : i32
    %lt3A_22 = vector.broadcast %lt3A : i32 to vector<256x1xi32>
    %lt3A_23 = arith.cmpi slt, %add3A_21, %lt3A_22 : vector<256x1xi32>
    %mul3A_24 = vector.broadcast %slice3A : vector<256x1xf32> to vector<256x128xf32>
    %mul3A_25 = arith.mulf %dot_general3A_18, %mul3A_24 : vector<256x128xf32>
    %jit3A = arith.constant 0.000000e+00 : f32
    %broadcast_in_dim3A = vector.shape_cast %lt3A_23 : vector<256x1xi1> to vector<256x1xi1>
    %broadcast_in_dim3A_26 = vector.broadcast %broadcast_in_dim3A : vector<256x1xi1> to vector<256x128xi1>
    %broadcast_in_dim3A_27 = vector.broadcast %jit3A : f32 to vector<256x128xf32>
    %select_n3A = arith.select %broadcast_in_dim3A_26, %mul3A_25, %broadcast_in_dim3A_27 : vector<256x128xi1>, vector<256x128xf32>
    %swap3A = arith.constant 0 : index
    %swap3A_28 = arith.constant 0 : index
    %swap3A_29 = vector.load %arg4[%swap3A, %swap3A_28] : memref<256x128xf32, #tpu.memory_space<vmem>>, vector<256x128xf32>
    tpu.vector_store %arg4[%swap3A, %swap3A_28], %select_n3A {strides = array<i32>} : memref<256x128xf32, #tpu.memory_space<vmem>>, vector<256x128xf32>,
    return
  }
  func.func @transform_0(%arg0: i32) -> (i32, i32) {
    %c0_i32 = arith.constant 0 : i32
    %c0_i32_0 = arith.constant 0 : i32
    return %arg0, %c0_i32 : i32, i32
  }
  func.func @transform_1(%arg0: i32) -> (i32, i32) {
    %c0_i32 = arith.constant 0 : i32
    %c0_i32_0 = arith.constant 0 : i32
    %c0_i32_1 = arith.constant 0 : i32
    return %c0_i32, %c0_i32_0 : i32, i32
  }
  func.func @transform_2(%arg0: i32) -> (i32, i32, i32) {
    %c0_i32 = arith.constant 0 : i32
    %c0_i32_0 = arith.constant 0 : i32
    %c0_i32_1 = arith.constant 0 : i32
    return %c0_i32, %arg0, %c0_i32_0 : i32, i32, i32
  }
  func.func @transform_3(%arg0: i32) -> (i32, i32) {
    %c0_i32 = arith.constant 0 : i32
    %c0_i32_0 = arith.constant 0 : i32
    return %arg0, %c0_i32 : i32, i32
  }
}

module attributes {stable_mosaic.version = 14 : i64} {
  func.func @_tc2_body(%arg0: i32, %arg1: memref<2x256x128xf32, #tpu.memory_space<vmem>>, %arg2: memref<256x128xf32, #tpu.memory_space<vmem>>, %arg3: memref<2x256x128xf32, #tpu.memory_space<vmem>>, %arg4: memref<128x128xf32, #tpu.memory_space<vmem>>, %arg5: memref<1x128xf32, #tpu.memory_space<vmem>>, %arg6: memref<256x128xf32, #tpu.memory_space<vmem>>) attributes {dimension_semantics = [#tpu.dimension_semantics<arbitrary>], iteration_bounds = array<i64: 40>, scalar_prefetch = 0 : i64, scratch_operands = 0 : i64, tpu.core_type = #tpu.core_type<tc>, window_params = [{transform_indices = @transform_0, window_bounds = array<i64: 2, 256, 128>}, {transform_indices = @transform_1, window_bounds = array<i64: 256, 128>}, {transform_indices = @transform_2, window_bounds = array<i64: 2, 256, 128>}, {pipeline_mode = #tpu.pipeline_mode<synchronous>, transform_indices = @transform_3, window_bounds = array<i64: 128, 128>}, {pipeline_mode = #tpu.pipeline_mode<synchronous>, transform_indices = @transform_4, window_bounds = array<i64: 1, 128>}, {transform_indices = @transform_5, window_bounds = array<i64: 256, 128>}]} {
    %get3A = arith.constant 0 : index
    %get3A_0 = arith.constant 0 : index
    %get3A_1 = arith.constant 0 : index
    %get3A_2 = vector.load %arg3[%get3A, %get3A_0, %get3A_1] : memref<2x256x128xf32, #tpu.memory_space<vmem>>, vector<1x256x128xf32>
    %get3A_3 = vector.shape_cast %get3A_2 : vector<1x256x128xf32> to vector<256x128xf32>
    %get3A_4 = arith.constant 1 : index
    %get3A_5 = arith.constant 0 : index
    %get3A_6 = arith.constant 0 : index
    %get3A_7 = vector.load %arg3[%get3A_4, %get3A_5, %get3A_6] : memref<2x256x128xf32, #tpu.memory_space<vmem>>, vector<1x256x128xf32>
    %get3A_8 = vector.shape_cast %get3A_7 : vector<1x256x128xf32> to vector<256x128xf32>
    %add3A = arith.addf %get3A_3, %get3A_8 : vector<256x128xf32>
    %add3A_9 = arith.constant 1.000000e+00 : f32
    %add3A_10 = vector.broadcast %add3A_9 : f32 to vector<256x128xf32>
    %add3A_11 = arith.addf %add3A, %add3A_10 : vector<256x128xf32>
    %rsqrt3A = math.rsqrt %add3A_11 : vector<256x128xf32>
    %slice3A = vector.extract_strided_slice %rsqrt3A {offsets = [0, 0], sizes = [256, 1], strides = [1, 1]} : vector<256x128xf32> to vector<256x1xf32>
    %get3A_12 = arith.constant 0 : index
    %get3A_13 = arith.constant 0 : index
    %get3A_14 = arith.constant 0 : index
    %get3A_15 = vector.load %arg1[%get3A_12, %get3A_13, %get3A_14] : memref<2x256x128xf32, #tpu.memory_space<vmem>>, vector<1x256x128xf32>
    %get3A_16 = vector.shape_cast %get3A_15 : vector<1x256x128xf32> to vector<256x128xf32>
    %get3A_17 = arith.constant 1 : index
    %get3A_18 = arith.constant 0 : index
    %get3A_19 = arith.constant 0 : index
    %get3A_20 = vector.load %arg1[%get3A_17, %get3A_18, %get3A_19] : memref<2x256x128xf32, #tpu.memory_space<vmem>>, vector<1x256x128xf32>
    %get3A_21 = vector.shape_cast %get3A_20 : vector<1x256x128xf32> to vector<256x128xf32>
    %add3A_22 = arith.addf %get3A_16, %get3A_21 : vector<256x128xf32>
    %get3A_23 = arith.constant 0 : index
    %get3A_24 = arith.constant 0 : index
    %get3A_25 = vector.load %arg2[%get3A_23, %get3A_24] : memref<256x128xf32, #tpu.memory_space<vmem>>, vector<256x128xf32>
    %add3A_26 = arith.addf %add3A_22, %get3A_25 : vector<256x128xf32>
    %mul3A = vector.broadcast %slice3A : vector<256x1xf32> to vector<256x128xf32>
    %mul3A_27 = arith.mulf %add3A_26, %mul3A : vector<256x128xf32>
    %get3A_28 = arith.constant 0 : index
    %get3A_29 = arith.constant 0 : index
    %get3A_30 = vector.load %arg5[%get3A_28, %get3A_29] : memref<1x128xf32, #tpu.memory_space<vmem>>, vector<1x128xf32>
    %add3A_31 = vector.broadcast %get3A_30 : vector<1x128xf32> to vector<256x128xf32>
    %add3A_32 = arith.addf %mul3A_27, %add3A_31 : vector<256x128xf32>
    %ge3A = arith.constant 0.000000e+00 : f32
    %ge3A_33 = vector.broadcast %ge3A : f32 to vector<256x128xf32>
    %ge3A_34 = arith.cmpf oge, %add3A_32, %ge3A_33 : vector<256x128xf32>
    %mul3A_35 = arith.constant 0.00999999977 : f32
    %mul3A_36 = vector.broadcast %mul3A_35 : f32 to vector<256x128xf32>
    %mul3A_37 = arith.mulf %mul3A_36, %add3A_32 : vector<256x128xf32>
    %select_n3A = arith.select %ge3A_34, %add3A_32, %mul3A_37 : vector<256x128xi1>, vector<256x128xf32>
    %get3A_38 = arith.constant 0 : index
    %get3A_39 = arith.constant 0 : index
    %get3A_40 = vector.load %arg4[%get3A_38, %get3A_39] : memref<128x128xf32, #tpu.memory_space<vmem>>, vector<128x128xf32>
    %dot_general3A = arith.constant dense<0.000000e+00> : vector<256x128xf32>
    %dot_general3A_41 = tpu.matmul %select_n3A, %get3A_40, %dot_general3A {dimension_numbers = #tpu.dot_dimension_numbers<[1], [0], [0], [1], [0, 0, 1, 1], [], []>, transpose_lhs_hint = false} : vector<256x128xf32>, vector<128x128xf32>, vector<256x128xf32> -> vector<256x128xf32>
    %mul3A_42 = vector.broadcast %slice3A : vector<256x1xf32> to vector<256x128xf32>
    %mul3A_43 = arith.mulf %dot_general3A_41, %mul3A_42 : vector<256x128xf32>
    %iota3A = tpu.iota {dimensions = array<i32: 0>} : vector<256x1xi32>
    %mul3A_44 = arith.constant 256 : i32
    %mul3A_45 = arith.muli %arg0, %mul3A_44 : i32
    %add3A_46 = vector.broadcast %mul3A_45 : i32 to vector<256x1xi32>
    %add3A_47 = arith.addi %iota3A, %add3A_46 : vector<256x1xi32>
    %lt3A = arith.constant 10000 : i32
    %lt3A_48 = vector.broadcast %lt3A : i32 to vector<256x1xi32>
    %lt3A_49 = arith.cmpi slt, %add3A_47, %lt3A_48 : vector<256x1xi32>
    %jit3A = arith.constant 0.000000e+00 : f32
    %broadcast_in_dim3A = vector.shape_cast %lt3A_49 : vector<256x1xi1> to vector<256x1xi1>
    %broadcast_in_dim3A_50 = vector.broadcast %broadcast_in_dim3A : vector<256x1xi1> to vector<256x128xi1>
    %broadcast_in_dim3A_51 = vector.broadcast %jit3A : f32 to vector<256x128xf32>
    %select_n3A_52 = arith.select %broadcast_in_dim3A_50, %mul3A_43, %broadcast_in_dim3A_51 : vector<256x128xi1>, vector<256x128xf32>
    %swap3A = arith.constant 0 : index
    %swap3A_53 = arith.constant 0 : index
    %swap3A_54 = vector.load %arg6[%swap3A, %swap3A_53] : memref<256x128xf32, #tpu.memory_space<vmem>>, vector<256x128xf32>
    tpu.vector_store %arg6[%swap3A, %swap3A_53], %select_n3A_52 {strides = array<i32>} : memref<256x128xf32, #tpu.memory_space<vmem>>, vector<256x128xf32>,
    return
  }
  func.func @transform_0(%arg0: i32) -> (i32, i32, i32) {
    %c0_i32 = arith.constant 0 : i32
    %c0_i32_0 = arith.constant 0 : i32
    %c0_i32_1 = arith.constant 0 : i32
    return %c0_i32, %arg0, %c0_i32_0 : i32, i32, i32
  }
  func.func @transform_1(%arg0: i32) -> (i32, i32) {
    %c0_i32 = arith.constant 0 : i32
    %c0_i32_0 = arith.constant 0 : i32
    return %arg0, %c0_i32 : i32, i32
  }
  func.func @transform_2(%arg0: i32) -> (i32, i32, i32) {
    %c0_i32 = arith.constant 0 : i32
    %c0_i32_0 = arith.constant 0 : i32
    %c0_i32_1 = arith.constant 0 : i32
    return %c0_i32, %arg0, %c0_i32_0 : i32, i32, i32
  }
  func.func @transform_3(%arg0: i32) -> (i32, i32) {
    %c0_i32 = arith.constant 0 : i32
    %c0_i32_0 = arith.constant 0 : i32
    %c0_i32_1 = arith.constant 0 : i32
    return %c0_i32, %c0_i32_0 : i32, i32
  }
  func.func @transform_4(%arg0: i32) -> (i32, i32) {
    %c0_i32 = arith.constant 0 : i32
    %c0_i32_0 = arith.constant 0 : i32
    %c0_i32_1 = arith.constant 0 : i32
    return %c0_i32, %c0_i32_0 : i32, i32
  }
  func.func @transform_5(%arg0: i32) -> (i32, i32) {
    %c0_i32 = arith.constant 0 : i32
    %c0_i32_0 = arith.constant 0 : i32
    return %arg0, %c0_i32 : i32, i32
  }
}

module attributes {stable_mosaic.version = 14 : i64} {
  func.func @_tc3_body(%arg0: i32, %arg1: memref<2x256x128xf32, #tpu.memory_space<vmem>>, %arg2: memref<256x128xf32, #tpu.memory_space<vmem>>, %arg3: memref<2x256x128xf32, #tpu.memory_space<vmem>>, %arg4: memref<1x128xf32, #tpu.memory_space<vmem>>, %arg5: memref<256x128xf32, #tpu.memory_space<vmem>>) attributes {dimension_semantics = [#tpu.dimension_semantics<arbitrary>], iteration_bounds = array<i64: 40>, scalar_prefetch = 0 : i64, scratch_operands = 0 : i64, tpu.core_type = #tpu.core_type<tc>, window_params = [{transform_indices = @transform_0, window_bounds = array<i64: 2, 256, 128>}, {transform_indices = @transform_1, window_bounds = array<i64: 256, 128>}, {transform_indices = @transform_2, window_bounds = array<i64: 2, 256, 128>}, {pipeline_mode = #tpu.pipeline_mode<synchronous>, transform_indices = @transform_3, window_bounds = array<i64: 1, 128>}, {transform_indices = @transform_4, window_bounds = array<i64: 256, 128>}]} {
    %get3A = arith.constant 0 : index
    %get3A_0 = arith.constant 0 : index
    %get3A_1 = arith.constant 0 : index
    %get3A_2 = vector.load %arg3[%get3A, %get3A_0, %get3A_1] : memref<2x256x128xf32, #tpu.memory_space<vmem>>, vector<1x256x128xf32>
    %get3A_3 = vector.shape_cast %get3A_2 : vector<1x256x128xf32> to vector<256x128xf32>
    %get3A_4 = arith.constant 1 : index
    %get3A_5 = arith.constant 0 : index
    %get3A_6 = arith.constant 0 : index
    %get3A_7 = vector.load %arg3[%get3A_4, %get3A_5, %get3A_6] : memref<2x256x128xf32, #tpu.memory_space<vmem>>, vector<1x256x128xf32>
    %get3A_8 = vector.shape_cast %get3A_7 : vector<1x256x128xf32> to vector<256x128xf32>
    %add3A = arith.addf %get3A_3, %get3A_8 : vector<256x128xf32>
    %add3A_9 = arith.constant 1.000000e+00 : f32
    %add3A_10 = vector.broadcast %add3A_9 : f32 to vector<256x128xf32>
    %add3A_11 = arith.addf %add3A, %add3A_10 : vector<256x128xf32>
    %rsqrt3A = math.rsqrt %add3A_11 : vector<256x128xf32>
    %slice3A = vector.extract_strided_slice %rsqrt3A {offsets = [0, 0], sizes = [256, 1], strides = [1, 1]} : vector<256x128xf32> to vector<256x1xf32>
    %get3A_12 = arith.constant 0 : index
    %get3A_13 = arith.constant 0 : index
    %get3A_14 = arith.constant 0 : index
    %get3A_15 = vector.load %arg1[%get3A_12, %get3A_13, %get3A_14] : memref<2x256x128xf32, #tpu.memory_space<vmem>>, vector<1x256x128xf32>
    %get3A_16 = vector.shape_cast %get3A_15 : vector<1x256x128xf32> to vector<256x128xf32>
    %get3A_17 = arith.constant 1 : index
    %get3A_18 = arith.constant 0 : index
    %get3A_19 = arith.constant 0 : index
    %get3A_20 = vector.load %arg1[%get3A_17, %get3A_18, %get3A_19] : memref<2x256x128xf32, #tpu.memory_space<vmem>>, vector<1x256x128xf32>
    %get3A_21 = vector.shape_cast %get3A_20 : vector<1x256x128xf32> to vector<256x128xf32>
    %add3A_22 = arith.addf %get3A_16, %get3A_21 : vector<256x128xf32>
    %get3A_23 = arith.constant 0 : index
    %get3A_24 = arith.constant 0 : index
    %get3A_25 = vector.load %arg2[%get3A_23, %get3A_24] : memref<256x128xf32, #tpu.memory_space<vmem>>, vector<256x128xf32>
    %add3A_26 = arith.addf %add3A_22, %get3A_25 : vector<256x128xf32>
    %mul3A = vector.broadcast %slice3A : vector<256x1xf32> to vector<256x128xf32>
    %mul3A_27 = arith.mulf %add3A_26, %mul3A : vector<256x128xf32>
    %get3A_28 = arith.constant 0 : index
    %get3A_29 = arith.constant 0 : index
    %get3A_30 = vector.load %arg4[%get3A_28, %get3A_29] : memref<1x128xf32, #tpu.memory_space<vmem>>, vector<1x128xf32>
    %add3A_31 = vector.broadcast %get3A_30 : vector<1x128xf32> to vector<256x128xf32>
    %add3A_32 = arith.addf %mul3A_27, %add3A_31 : vector<256x128xf32>
    %swap3A = arith.constant 0 : index
    %swap3A_33 = arith.constant 0 : index
    %swap3A_34 = vector.load %arg5[%swap3A, %swap3A_33] : memref<256x128xf32, #tpu.memory_space<vmem>>, vector<256x128xf32>
    tpu.vector_store %arg5[%swap3A, %swap3A_33], %add3A_32 {strides = array<i32>} : memref<256x128xf32, #tpu.memory_space<vmem>>, vector<256x128xf32>,
    return
  }
  func.func @transform_0(%arg0: i32) -> (i32, i32, i32) {
    %c0_i32 = arith.constant 0 : i32
    %c0_i32_0 = arith.constant 0 : i32
    %c0_i32_1 = arith.constant 0 : i32
    return %c0_i32, %arg0, %c0_i32_0 : i32, i32, i32
  }
  func.func @transform_1(%arg0: i32) -> (i32, i32) {
    %c0_i32 = arith.constant 0 : i32
    %c0_i32_0 = arith.constant 0 : i32
    return %arg0, %c0_i32 : i32, i32
  }
  func.func @transform_2(%arg0: i32) -> (i32, i32, i32) {
    %c0_i32 = arith.constant 0 : i32
    %c0_i32_0 = arith.constant 0 : i32
    %c0_i32_1 = arith.constant 0 : i32
    return %c0_i32, %arg0, %c0_i32_0 : i32, i32, i32
  }
  func.func @transform_3(%arg0: i32) -> (i32, i32) {
    %c0_i32 = arith.constant 0 : i32
    %c0_i32_0 = arith.constant 0 : i32
    %c0_i32_1 = arith.constant 0 : i32
    return %c0_i32, %c0_i32_0 : i32, i32
  }
  func.func @transform_4(%arg0: i32) -> (i32, i32) {
    %c0_i32 = arith.constant 0 : i32
    %c0_i32_0 = arith.constant 0 : i32
    return %arg0, %c0_i32 : i32, i32
  }
}

</mosaic_0001>

<sc_bundles>
// kernel: kernel.11.cloned.1.call-start
scs
__scs_entry_jumppad:
0x0: {  	(pc) =	sbr.rel $0x88, $3  }
0x1: {  	(tag) =	ssettag $0x0;
	lr =	simm.s32 $0x1  }
0x2: {  	[smem:$0x3F9B] =	sst lr;
	_ =	strace $0xD0000000  }
0x3: {  	_ = 	snop  }
0x4: {  	_ = 	snop  }
0x5: {  	_ = 	snop  }
0x6: {  	_ = 	snop  }
0x7: {  	_ = 	snop  }
__scs_overlays_trampoline_lowered:
0x8: {  	[smem:$0x3FAA] =	sst s0  }
0x9: {  	[smem:$0x3FAB] =	sst s1  }
0xa: {  	[smem:$0x3FAC] =	sst s2  }
0xb: {  	[smem:$0x3FAD] =	sst s3  }
0xc: {  	[smem:$0x3FAE] =	sst s4  }
0xd: {  	[smem:$0x3FAF] =	sst s5  }
0xe: {  	[smem:$0x3FB0] =	sst s6  }
0xf: {  	[smem:$0x3FB1] =	sst s7  }
0x10: {  	[smem:$0x3FB2] =	sst s8  }
0x11: {  	[smem:$0x3FB3] =	sst s9;
	s0 =	simm.s32 @!p0 $0x0  }
0x12: {  	s1 =	sld [smem:$0x3F99];
	s0 =	simm.s32 @p0 $0x1  }
0x13: {  	[smem:$0x3FB4] =	sst s0;
	s0 =	simm.s32 @!p1 $0x0  }
0x14: {  	s2 =	sld [smem:$0x3F98];
	s0 =	simm.s32 @p1 $0x1  }
0x15: {  	[smem:$0x3FB5] =	sst s0;
	s0 =	simm.s32 @!p2 $0x0  }
0x16: {  	s3 =	sld [smem:$0x3FDB];
	s0 =	simm.s32 @p2 $0x1  }
0x17: {  	s4 =	simm.s32 $0x1BF5;
	[smem:$0x3FB7] =	sst s0  }
0x18: {  	s0 =	sld [smem:$0x3F9A];
	_ =	swait.ge [sflag:s4], $0x0  }
0x19: {  	s7 =	sld [smem:$0x3F9B]  }
0x1a: {  	s8 =	sadd.s32 $0xFFFFE003, lr  }
0x1b: {  	s9 =	sadd.s32 $0xFFFFFEF7, lr;
	s5 =	simm.s32 $0xFFFFFFFF;
	p2 =	slt.u32 s8, $0xFFFFF086  }
0x1c: {  	p1 =	slt.u32 s9, $0xF7A;
	s5 =	simm.s32 @!p2 $0x0  }
0x1d: {  	s5 =	simm.s32 @p1 $0x1;
	p0 =	seq.s32 s7, s2  }
0x1e: {  	s7 =	smul.u32 @!p0 $0xF7A, s2;
	p2 =	seq.s32 @!p0 s5, $0x0  }
0x1f: {  	s9 =	smul.u32 $0xF7A, s1;
	s8 =	simm.s32 @!p0 $0x1BF5;
	p2 =	por !p2, p0  }
0x20: {  	[sflag:s8] =	ssyncset.s32 @!p0 $0xFFFFF086;
	s6 =	sadd.s32 @!p0 s3, s7;
	s7 =	simm.s32 @!p0 $0x108  }
0x21: {  	s3 =	sadd.s32 s3, s9;
	s6 =	sadd.s32 @!p0 $0x88, s6;
	s7 =	simm.s32 @p2 $0x1082  }
0x22: {  	[simem:s7], [sflag:s8] =	dma.local @!p0 [hbm:s6], $0xF7A  }
0x23: {  	s9 =	sor.u32 $0xD0000000, s2;
	s6 =	simm.s32 $0x108;
	_ =	swait.ge @!p0 [sflag:s8], $0x0  }
0x24: {  	s3 =	sadd.s32 $0x88, s3;
	s6 =	simm.s32 @!p1 $0x1082;
	[sflag:s4] =	ssyncset.s32 $0xFFFFF086  }
0x25: {  	[simem:s6], [sflag:s4] =	dma.local [hbm:s3], $0xF7A  }
0x26: {  	[smem:$0x3F9B] =	sst s1;
	(tag) =	ssettag s2;
	_ =	strace s9  }
0x27: {  	s1 =	sld [smem:$0x3FAB]  }
0x28: {  	s2 =	sld [smem:$0x3FAC]  }
0x29: {  	s4 =	sld [smem:$0x3FAE]  }
0x2a: {  	p0 =	seq.s32 s5, $0x0;
	s5 =	sld [smem:$0x3FAF]  }
0x2b: {  	s6 =	sld [smem:$0x3FB0]  }
0x2c: {  	s7 =	sld [smem:$0x3FB1]  }
0x2d: {  	s3 =	simm.s32 $0x108;
	s8 =	sld [smem:$0x3FB2]  }
0x2e: {  	s3 =	simm.s32 @!p0 $0x1082;
	s9 =	sld [smem:$0x3FB3]  }
0x2f: {  	lr =	sadd.s32 s0, s3;
	s0 =	sld [smem:$0x3FAA]  }
0x30: {  	s3 =	sld [smem:$0x3FAD]  }
0x31: {  	[smem:$0x3FB6] =	sst s10  }
0x32: {  	s10 =	sld [smem:$0x3FB4];
	_ =	sdelay $0x3  }
0x33: {  	p0 =	seq.s32 s10, $0x1;
	s10 =	sld [smem:$0x3FB6];
	_ =	sdelay $0x3  }
0x34: {  	[smem:$0x3FB6] =	sst s10  }
0x35: {  	s10 =	sld [smem:$0x3FB5];
	_ =	sdelay $0x3  }
0x36: {  	p1 =	seq.s32 s10, $0x1;
	s10 =	sld [smem:$0x3FB6];
	_ =	sdelay $0x3  }
0x37: {  	[smem:$0x3FB6] =	sst s10  }
0x38: {  	s10 =	sld [smem:$0x3FB7]  }
0x39: {  	_ = 	snop;
	(pc) =	sbr.ind lr, $3  }
0x3a: {  	_ = 	snop  }
0x3b: {  	_ = 	snop  }
0x3c: {  	p2 =	seq.s32 s10, $0x1;
	s10 =	sld [smem:$0x3FB6]  }
0x3d: {  	_ =	shalt  }
0x3e: {  	_ =	shalt  }
0x3f: {  	_ =	shalt  }
0x40: {  	_ =	shalt  }
0x41: {  	_ =	shalt  }
0x42: {  	_ =	shalt  }
0x43: {  	_ =	shalt  }
0x44: {  	_ =	shalt  }
0x45: {  	_ =	shalt  }
0x46: {  	_ =	shalt  }
0x47: {  	_ =	shalt  }
0x48: {  	_ =	shalt  }
0x49: {  	_ =	shalt  }
0x4a: {  	_ =	shalt  }
0x4b: {  	_ =	shalt  }
0x4c: {  	_ =	shalt  }
0x4d: {  	_ =	shalt  }
0x4e: {  	_ =	shalt  }
0x4f: {  	_ =	shalt  }
0x50: {  	_ =	shalt  }
0x51: {  	_ =	shalt  }
0x52: {  	_ =	shalt  }
0x53: {  	_ =	shalt  }
0x54: {  	_ =	shalt  }
0x55: {  	_ =	shalt  }
0x56: {  	_ =	shalt  }
0x57: {  	_ =	shalt  }
0x58: {  	_ =	shalt  }
0x59: {  	_ =	shalt  }
0x5a: {  	_ =	shalt  }
0x5b: {  	_ =	shalt  }
0x5c: {  	_ =	shalt  }
0x5d: {  	_ =	shalt  }
0x5e: {  	_ =	shalt  }
0x5f: {  	_ =	shalt  }
0x60: {  	_ =	shalt  }
0x61: {  	_ =	shalt  }
0x62: {  	_ =	shalt  }
0x63: {  	_ =	shalt  }
0x64: {  	_ =	shalt  }
0x65: {  	_ =	shalt  }
0x66: {  	_ =	shalt  }
0x67: {  	_ =	shalt  }
0x68: {  	_ =	shalt  }
0x69: {  	_ =	shalt  }
0x6a: {  	_ =	shalt  }
0x6b: {  	_ =	shalt  }
0x6c: {  	_ =	shalt  }
0x6d: {  	_ =	shalt  }
0x6e: {  	_ =	shalt  }
0x6f: {  	_ =	shalt  }
0x70: {  	_ =	shalt  }
0x71: {  	_ =	shalt  }
0x72: {  	_ =	shalt  }
0x73: {  	_ =	shalt  }
0x74: {  	_ =	shalt  }
0x75: {  	_ =	shalt  }
0x76: {  	_ =	shalt  }
0x77: {  	_ =	shalt  }
0x78: {  	_ =	shalt  }
0x79: {  	_ =	shalt  }
0x7a: {  	_ =	shalt  }
0x7b: {  	_ =	shalt  }
0x7c: {  	_ =	shalt  }
0x7d: {  	_ =	shalt  }
0x7e: {  	_ =	shalt  }
0x7f: {  	_ =	shalt  }
0x80: {  	_ =	shalt  }
0x81: {  	_ =	shalt  }
0x82: {  	_ =	shalt  }
0x83: {  	_ =	shalt  }
0x84: {  	_ =	shalt  }
0x85: {  	_ =	shalt  }
0x86: {  	_ =	shalt  }
0x87: {  	_ =	shalt  }
.Lfunc_end0:
.L_simem_size_0:
called_computation.1_lowered:
.L_overlay_start_0:
0x88: {  	s2 =	sld [smem:$0x3FD9]  }
0x89: {  	s3 =	sld [smem:$0x3FFE];
	_ =	sdelay $0x1  }
0x8a: {  	s1 =	srdreg.scid  }
0x8b: {  	s0 =	sand.u32 $0x1, s1  }
0x8c: {  	s17 =	sshll.u32 s0, $0xA;
	s2 =	sadd.s32 s3, s2  }
0x8d: {  	s2 =	sadd.s32 s2, s17  }
0x8e: {  	[smem:$0x3FC2] =	sst s2  }
0x8f: {  	_ = 	snop  }
0x90: {  	s2 =	sld [smem:$0x3FD0];
	(tm) =	ssettm $0x1  }
0x91: {  	s18 =	sld [smem:$0x3FFB];
	_ =	sdelay $0x3  }
0x92: {  	_ =	strace s18  }
0x93: {  	s3 =	sld [smem:$0x3FFC];
	_ =	sdelay $0x3  }
0x94: {  	_ =	strace s3  }
0x95: {  	s3 =	sld [smem:$0x3FFD];
	_ =	sdelay $0x3  }
0x96: {  	_ =	strace s3  }
0x97: {  	_ =	strace $0x8FFFFFFF  }
0x98: {  	s19 =	sld [smem:$0x3FDB];
	_ =	sdelay $0x1  }
0x99: {  	s4 =	simm.s32 $_scs_section_size  }
0x9a: {  	s5 =	simm.s32 $_size__tile_overlayer_lowered;
	s6 =	simm.s32 $_tile_overlayer_lowered  }
0x9b: {  	s22 =	simm.s32 $0x1BFF;
	s21 =	sshll.u32 s6, $0x1;
	s3 =	sadd.s32 s4, s19  }
0x9c: {  	s7 =	simm.s32 $0x0;
	s20 =	sshll.u32 s5, $0x1;
	s5 =	sadd.s32 s21, s3  }
0x9d: {  	[timem:s7], [sflag:s22] =	dma.local [hbm:s5], s20  }
0x9e: {  	_ =	swait.ge [sflag:s22], s20  }
0x9f: {  	s4 =	ssub.s32 $0x0, s20;
	[sflag:s22] =	ssyncset.done $0x0  }
0xa0: {  	[sflag:s22] =	ssyncadd.s32 s4;
	_ =	sdelay $0x1  }
0xa1: {  	s23 =	simm.s32 $0x1B8B  }
0xa2: {  	_ =	swait.ge [sflag:s23], $0x1  }
0xa3: {  	[sflag:s23] =	ssyncset.done $0x0  }
0xa4: {  	s25 =	simm.s32 $0x1B8E;
	s24 =	sld [smem:$0x3FFE];
	[sflag:s23] =	ssyncadd.s32 $0xFFFFFFFF  }
0xa5: {  	s26 =	simm.s32 $execute0_lowered;
	[smem:$0x3FD2] =	sst s25  }
0xa6: {  	s5 =	sshll.u32 s26, $0x1;
	_ =	strace $0x80000049;
	[dreg:$0x1] =	wrdreg $0xFFFFFFFF  }
0xa7: {  	s28 =	simm.s32 $_size_execute0_lowered;
	s3 =	sadd.s32 s3, s5;
	[dreg:$0x0] =	wrdreg $0x0  }
0xa8: {  	s5 =	sshll.u32 s28, $0x1;
	[dreg:$0x2] =	wrdreg s3  }
0xa9: {  	[dreg:$0x3] =	wrdreg s5  }
0xaa: {  	[dreg:$0x4] =	wrdreg $0xC0  }
0xab: {  	_ =	task [dreg:s7], $0x5FFFF  }
0xac: {  	[dreg:$0x1] =	wrdreg $0xFFFFFFFF  }
0xad: {  	[dreg:$0x0] =	wrdreg $0x60  }
0xae: {  	[dreg:$0x2] =	wrdreg s24  }
0xaf: {  	[dreg:$0x3] =	wrdreg s2  }
0xb0: {  	[dreg:$0x4] =	wrdreg $0xA8000  }
0xb1: {  	[dreg:$0x5] =	wrdreg $0x9  }
0xb2: {  	_ =	task.clear_ibuf [dreg:s7], $0x6FFFF;
	_ =	strace $0x90000049  }
0xb3: {  	s29 =	simm.s32 $0x9;
	_ =	strace $0x8000004B  }
0xb4: {  	_ =	swait.ge [sflag:s29], $0x1  }
0xb5: {  	[sflag:s29] =	ssyncadd.s32 $0xFFFFFFFF  }
0xb6: {  	_ =	strace $0x9000004B  }
0xb7: {  	_ =	sfence  }
0xb8: {  	s30 =	sld [smem:$0x0];
	_ =	sdelay $0x2  }
0xb9: {  	s31 =	sshll.u32 s1, $0xD;
	s1 =	sshrl.u32 s1, $0x2  }
0xba: {  	s3 =	sand.u32 $0x4000, s31;
	s1 =	sadd.s32 s1, s30  }
0xbb: {  	s0 =	sor.u32 s3, s0;
	s1 =	sshll.u32 s1, $0x11  }
0xbc: {  	s0 =	sor.u32 s1, s0  }
0xbd: {  	s0 =	sadd.s32 $0x8F2B, s0  }
0xbe: {  	[sflag:s0] =	ssyncadd.remote.s32 $0x1  }
0xbf: {  	_ =	sfence.sel $0xFFFF  }
0xc0: {  	[dreg:$0x0] =	wrdreg $0xFFFFFFFF;
	(pc) =	sbr.abs _section_cstart, $3  }
0xc1: {  	[dreg:$0x1] =	wrdreg $0xFFFFFFFF  }
0xc2: {  	_ =	task.clear_ibuf [dreg:s7], $0x2FFFF;
	_ =	strace $0x9FFFFFFF  }
0xc3: {  	(tm) =	ssettm $0x7FFFFFFF  }
tec
execute0_lowered:
.L_overlay_start_1:
0x0: {  	(tag) =	ssettag $0x1  }
0x1: {  	s0 =	rddreg [dreg:$0x0]  }
0x2: {  	s1 =	rddreg [dreg:$0x1];
	s3 =	srdreg.scid  }
0x3: {  	s12 =	stileid.u32;
	s2 =	rddreg [dreg:$0x2]  }
0x4: {  	s16 =	simm.s32 $0x80;
	s17 =	simm.s32 $0x1;
	s18 =	simm.s32 $0x6800  }
0x5: {  	s19 =	simm.s32 $0x2;
	s28 =	simm.s32 $0x1480;
	s10 =	smul.u32 $0x5, s12  }
0x6: {  	s29 =	simm.s32 $0x4;
	s30 =	simm.s32 $0x0;
	s11 =	smul.u32 $0x50000, s12  }
0x7: {  	s5 =	sand.u32 $0x1, s3;
	s4 =	sshll.u32 s12, $0x1;
	s20 =	smul.u32 $0x2800, s12  }
0x8: {  	s3 =	simm.s32 $0x0;
	s4 =	sor.u32 s5, s4;
	s7 =	smul.u32 $0x28000, s5  }
0x9: {  	[smem:$0x7FF] =	sst s3;
	s5 =	ssub.s32 $0x2, s5;
	s6 =	smul.u32 $0x500, s4  }
0xa: {  	_ =	strace $0x8000004A;
	s4 =	sadd.s32 $0x5CA00, s0;
	s9 =	sshrl.u32 s5, $0x1  }
0xb: {  	s22 =	sshrl.u32 s11, $0x2;
	s13 =	sadd.s32 $0x1, s10;
	s24 =	sadd.s32 $0x2, s10  }
0xc: {  	s14 =	sadd.s32 $0x3, s10;
	s15 =	sadd.s32 $0x4, s10;
	s9 =	ssub.s32 s5, s9  }
0xd: {  	s23 =	sshll.u32 s13, $0xE;
	s25 =	sshll.u32 s24, $0xE;
	s26 =	sshll.u32 s14, $0xE  }
0xe: {  	s31 =	sshll.u32 s15, $0xE;
	s21 =	sshll.u32 s13, $0xB;
	s13 =	simm.s32 $0x2800  }
0xf: {  	s8 =	sadd.s32 s6, s0;
	s0 =	sadd.s32 s7, s0;
	s5 =	sadd.s32 s1, s6  }
0x10: {  	s7 =	sadd.s32 s22, s2;
	s10 =	sadd.s32 s25, s2;
	s11 =	sadd.s32 s26, s2  }
0x11: {  	s12 =	sadd.s32 s31, s2;
	s1 =	sshll.u32 s24, $0xB;
	s24 =	sshll.u32 s15, $0xB  }
.Ltmp0:
0x12: {  	s15 =	simm.s32 $0x1400;
	s25 =	simm.s32 $0x3;
	(pc) =	sbr.rel .LBB2_1-.Ltmp0, $4  }
0x13: {  	s26 =	simm.s32 $0x100;
	s6 =	sadd.s32 $0x2A00, s8;
	s0 =	sadd.s32 $0x84A00, s0  }
0x14: {  	s8 =	smax.u32 s9, $0x1;
	s9 =	sadd.s32 s23, s2;
	s23 =	sshll.u32 s14, $0xB  }
0x15: {  	s14 =	simm.s32 $0x5;
	s20 =	sadd.s32 s20, s0;
	s21 =	sadd.s32 s21, s0  }
0x16: {  	v0 =	vimm.f32 $0.0e+00;
	s22 =	sadd.s32 s1, s0;
	s23 =	sadd.s32 s23, s0;
	s24 =	sadd.s32 s24, s0  }
.LBB2_9:
0x17: {  	[spmem:s2] =	stream.indirect.scatter.add.f32 [tilespmem:s18], [sflag:$0x4], $0x80, s0, s16, $0xb8;
	[tilespmem:$0x1E800] =	vst v63  }
0x18: {  	_ =	swait.ge [sflag:s29], $0x4000  }
0x19: {  	s1 =	stileid.u32;
	[sflag:s29] =	ssyncset.done $0x0  }
0x1a: {  	s0 =	sshll.u32 s1, $0x6;
	[sflag:s29] =	ssyncadd.s32 $0xFFFFC000  }
0x1b: {  	s1 =	sshrl.u32 s7, $0x3;
	s0 =	sor.u32 $0x1C05, s0;
	[bflag:$0x0] =	sbarrier.arrive $0xFFFF  }
0x1c: {  	[hbm:s20], [sflag:s0] =	dma.local [spmem:s1], $0x800  }
0x1d: {  	_ =	swait.ge [sflag:s14], $0x800  }
0x1e: {  	[sflag:s14] =	ssyncset.done $0x0  }
0x1f: {  	s31 =	sshrl.u32 s9, $0x3;
	[sflag:s14] =	ssyncadd.s32 $0xFFFFF800  }
0x20: {  	[hbm:s21], [sflag:s0] =	dma.local [spmem:s31], $0x800  }
0x21: {  	_ =	swait.ge [sflag:s14], $0x800  }
0x22: {  	[sflag:s14] =	ssyncset.done $0x0  }
0x23: {  	s31 =	sshrl.u32 s10, $0x3;
	[sflag:s14] =	ssyncadd.s32 $0xFFFFF800  }
0x24: {  	[hbm:s22], [sflag:s0] =	dma.local [spmem:s31], $0x800  }
0x25: {  	_ =	swait.ge [sflag:s14], $0x800  }
0x26: {  	[sflag:s14] =	ssyncset.done $0x0  }
0x27: {  	s31 =	sshrl.u32 s11, $0x3;
	[sflag:s14] =	ssyncadd.s32 $0xFFFFF800  }
0x28: {  	[hbm:s23], [sflag:s0] =	dma.local [spmem:s31], $0x800  }
0x29: {  	s30 =	sadd.s32 $0x1, s30;
	_ =	swait.ge [sflag:s14], $0x800  }
0x2a: {  	p0 =	sne.s32 s30, s8;
	[sflag:s14] =	ssyncset.done $0x0  }
.Ltmp1:
0x2b: {  	s31 =	sshrl.u32 s12, $0x3;
	[sflag:s14] =	ssyncadd.s32 $0xFFFFF800;
	(pc) =	sbr.rel @!p0 .LBB2_10-.Ltmp1, $4  }
0x2c: {  	[hbm:s24], [sflag:s0] =	dma.local [spmem:s31], $0x800  }
0x2d: {  	_ =	swait.ge [sflag:s14], $0x800  }
0x2e: {  	[sflag:s14] =	ssyncset.done $0x0  }
0x2f: {  	[sflag:s14] =	ssyncadd.s32 $0xFFFFF800  }
.LBB2_1:
0x30: {  	s31 =	simm.s32 $0x0;
	s1 =	simm.s32 $0x200  }
.LBB2_2:
0x31: {  	p0 =	sne.s32 s1, $0xFE00;
	[tilespmem:s31+$0x2870] =	vst v0  }
0x32: {  	[tilespmem:s31+$0x2800] =	vst v0  }
0x33: {  	[tilespmem:s31+$0x2810] =	vst v0  }
.Ltmp2:
0x34: {  	[tilespmem:s31+$0x2820] =	vst v0;
	(pc) =	sbr.rel @p0 .LBB2_2-.Ltmp2, $4  }
0x35: {  	[tilespmem:s31+$0x2830] =	vst v0  }
0x36: {  	[tilespmem:s31+$0x2840] =	vst v0  }
0x37: {  	[tilespmem:s31+$0x2850] =	vst v0  }
0x38: {  	[tilespmem:s31+$0x2860] =	vst v0;
	s31 =	sshra.s32 s1, $0x2;
	s1 =	sadd.s32 $0x200, s1  }
0x39: {  	[tilespmem:s31+$0x2870] =	vst v0  }
0x3a: {  	[tilespmem:s31+$0x2800] =	vst v0  }
0x3b: {  	[tilespmem:s31+$0x2810] =	vst v0  }
0x3c: {  	[tilespmem:s31+$0x2820] =	vst v0  }
0x3d: {  	[tilespmem:s31+$0x2830] =	vst v0  }
0x3e: {  	[tilespmem:s31+$0x2840] =	vst v0  }
0x3f: {  	[tilespmem:s31+$0x2850] =	vst v0  }
0x40: {  	[tilespmem:s31+$0x2860] =	vst v0  }
0x41: {  	[spmem:s7] =	stream.linear.scatter [tilespmem:s13], [sflag:$0x5], $0x4000, $0x38;
	[tilespmem:$0x1E800] =	vst v63  }
0x42: {  	_ =	swait.ge [sflag:s14], $0x4000  }
0x43: {  	[sflag:s14] =	ssyncset.done $0x0  }
0x44: {  	[sflag:s14] =	ssyncadd.s32 $0xFFFFC000  }
0x45: {  	[spmem:s9] =	stream.linear.scatter [tilespmem:s13], [sflag:$0x5], $0x4000, $0x38;
	[tilespmem:$0x1E800] =	vst v63  }
0x46: {  	_ =	swait.ge [sflag:s14], $0x4000  }
0x47: {  	[sflag:s14] =	ssyncset.done $0x0  }
0x48: {  	[sflag:s14] =	ssyncadd.s32 $0xFFFFC000  }
0x49: {  	[spmem:s10] =	stream.linear.scatter [tilespmem:s13], [sflag:$0x5], $0x4000, $0x38;
	[tilespmem:$0x1E800] =	vst v63  }
0x4a: {  	_ =	swait.ge [sflag:s14], $0x4000  }
0x4b: {  	[sflag:s14] =	ssyncset.done $0x0  }
0x4c: {  	[sflag:s14] =	ssyncadd.s32 $0xFFFFC000  }
0x4d: {  	[spmem:s11] =	stream.linear.scatter [tilespmem:s13], [sflag:$0x5], $0x4000, $0x38;
	[tilespmem:$0x1E800] =	vst v63  }
0x4e: {  	_ =	swait.ge [sflag:s14], $0x4000  }
0x4f: {  	[sflag:s14] =	ssyncset.done $0x0  }
0x50: {  	[sflag:s14] =	ssyncadd.s32 $0xFFFFC000  }
0x51: {  	[spmem:s12] =	stream.linear.scatter [tilespmem:s13], [sflag:$0x5], $0x4000, $0x38;
	[tilespmem:$0x1E800] =	vst v63  }
0x52: {  	_ =	swait.ge [sflag:s14], $0x4000  }
0x53: {  	[sflag:s14] =	ssyncset.done $0x0  }
0x54: {  	[sflag:s14] =	ssyncadd.s32 $0xFFFFC000  }
0x55: {  	[bflag:$0x0] =	sbarrier.arrive $0xFFFF  }
0x56: {  	[tilespmem:s3], [sflag:$0x5] =	stream.linear.gather [hbm4b:s5+s3], $0x1400, $0x38;
	[tilespmem:$0x1E800] =	vst v63  }
0x57: {  	_ =	swait.ge [sflag:s14], $0x1400  }
0x58: {  	[sflag:s14] =	ssyncset.done $0x0  }
0x59: {  	[sflag:s14] =	ssyncadd.s32 $0xFFFFEC00  }
0x5a: {  	[tilespmem:s15], [sflag:$0x5] =	stream.linear.gather [hbm4b:s6+s3], $0x1400, $0x38;
	[tilespmem:$0x1E800] =	vst v63  }
0x5b: {  	_ =	swait.ge [sflag:s14], $0x1400  }
0x5c: {  	[sflag:s14] =	ssyncset.done $0x0  }
0x5d: {  	[sflag:s14] =	ssyncadd.s32 $0xFFFFEC00  }
0x5e: {  	[tilespmem:s13], [sflag:$0x1] =	stream.indirect.gather [hbm4b:s4+s16], $0x80, s3, s16, $0xb8;
	[tilespmem:$0x1E800] =	vst v63  }
0x5f: {  	_ =	swait.ge [sflag:s17], $0x4000  }
0x60: {  	[sflag:s17] =	ssyncset.done $0x0  }
0x61: {  	[sflag:s17] =	ssyncadd.s32 $0xFFFFC000  }
0x62: {  	[tilespmem:s18], [sflag:$0x2] =	stream.indirect.gather [hbm4b:s4+s16], $0x80, s16, s16, $0xb8;
	[tilespmem:$0x1E800] =	vst v63  }
0x63: {  	_ = 	snop  }
0x64: {  	[spmem:s2] =	stream.indirect.scatter.add.f32 [tilespmem:s13], [sflag:$0x3], $0x80, s15, s16, $0xb8;
	[tilespmem:$0x1E800] =	vst v63  }
0x65: {  	_ =	swait.ge [sflag:s19], $0x4000  }
0x66: {  	[sflag:s19] =	ssyncset.done $0x0  }
0x67: {  	[sflag:s19] =	ssyncadd.s32 $0xFFFFC000  }
0x68: {  	_ =	swait.ge [sflag:s25], $0x4000  }
0x69: {  	[sflag:s25] =	ssyncset.done $0x0  }
0x6a: {  	[sflag:s25] =	ssyncadd.s32 $0xFFFFC000  }
0x6b: {  	[tilespmem:s13], [sflag:$0x1] =	stream.indirect.gather [hbm4b:s4+s16], $0x80, s26, s16, $0xb8;
	[tilespmem:$0x1E800] =	vst v63  }
0x6c: {  	s31 =	simm.s32 $0xFFFFB800  }
0x6d: {  	[spmem:s2] =	stream.indirect.scatter.add.f32 [tilespmem:s18], [sflag:$0x4], $0x80, s28, s16, $0xb8;
	[tilespmem:$0x1E800] =	vst v63  }
.LBB2_4:
0x6e: {  	_ =	swait.ge [sflag:s17], $0x4000  }
0x6f: {  	[sflag:s17] =	ssyncset.done $0x0  }
0x70: {  	[sflag:s17] =	ssyncadd.s32 $0xFFFFC000  }
0x71: {  	_ =	swait.ge [sflag:s29], $0x4000  }
0x72: {  	s1 =	sshra.s32 s31, $0x2;
	[sflag:s29] =	ssyncset.done $0x0  }
0x73: {  	s0 =	sadd.s32 $0x1380, s1;
	[sflag:s29] =	ssyncadd.s32 $0xFFFFC000  }
0x74: {  	[tilespmem:s18], [sflag:$0x2] =	stream.indirect.gather [hbm4b:s4+s16], $0x80, s0, s16, $0xb8;
	[tilespmem:$0x1E800] =	vst v63  }
0x75: {  	s0 =	sadd.s32 $0x2700, s1  }
0x76: {  	[spmem:s2] =	stream.indirect.scatter.add.f32 [tilespmem:s13], [sflag:$0x3], $0x80, s0, s16, $0xb8;
	[tilespmem:$0x1E800] =	vst v63  }
0x77: {  	p0 =	seq.s32 s31, $0x0;
	_ =	swait.ge [sflag:s19], $0x4000  }
.Ltmp3:
0x78: {  	[sflag:s19] =	ssyncset.done $0x0;
	(pc) =	sbr.rel @p0 .LBB2_6-.Ltmp3, $4  }
0x79: {  	[sflag:s19] =	ssyncadd.s32 $0xFFFFC000  }
0x7a: {  	_ =	swait.ge [sflag:s25], $0x4000  }
0x7b: {  	[sflag:s25] =	ssyncset.done $0x0  }
0x7c: {  	s0 =	sadd.s32 $0x2780, s1;
	[sflag:s25] =	ssyncadd.s32 $0xFFFFC000  }
.Ltmp4:
0x7d: {  	(pc) =	sbr.rel .LBB2_4-.Ltmp4, $4  }
0x7e: {  	s1 =	sadd.s32 $0x1400, s1  }
0x7f: {  	[tilespmem:s13], [sflag:$0x1] =	stream.indirect.gather [hbm4b:s4+s16], $0x80, s1, s16, $0xb8;
	[tilespmem:$0x1E800] =	vst v63  }
0x80: {  	s31 =	sadd.s32 $0x400, s31  }
0x81: {  	[spmem:s2] =	stream.indirect.scatter.add.f32 [tilespmem:s18], [sflag:$0x4], $0x80, s0, s16, $0xb8;
	[tilespmem:$0x1E800] =	vst v63  }
.LBB2_6:
0x82: {  	[spmem:s2] =	stream.indirect.scatter.add.f32 [tilespmem:s18], [sflag:$0x4], $0x80, s0, s16, $0xb8;
	[tilespmem:$0x1E800] =	vst v63  }
0x83: {  	_ =	swait.ge [sflag:s29], $0x4000  }
0x84: {  	[sflag:s29] =	ssyncset.done $0x0  }
0x85: {  	s1 =	sadd.s32 $0x280, s5;
	[sflag:s29] =	ssyncadd.s32 $0xFFFFC000  }
0x86: {  	[tilespmem:s3], [sflag:$0x5] =	stream.linear.gather [hbm4b:s1+s3], $0x1400, $0x38;
	[tilespmem:$0x1E800] =	vst v63  }
0x87: {  	_ =	swait.ge [sflag:s14], $0x1400  }
0x88: {  	[sflag:s14] =	ssyncset.done $0x0  }
0x89: {  	s1 =	sadd.s32 $0x280, s6;
	[sflag:s14] =	ssyncadd.s32 $0xFFFFEC00  }
0x8a: {  	[tilespmem:s15], [sflag:$0x5] =	stream.linear.gather [hbm4b:s1+s3], $0x1400, $0x38;
	[tilespmem:$0x1E800] =	vst v63  }
0x8b: {  	_ =	swait.ge [sflag:s14], $0x1400  }
0x8c: {  	[sflag:s14] =	ssyncset.done $0x0  }
0x8d: {  	[sflag:s14] =	ssyncadd.s32 $0xFFFFEC00  }
0x8e: {  	[tilespmem:s13], [sflag:$0x1] =	stream.indirect.gather [hbm4b:s4+s16], $0x80, s3, s16, $0xb8;
	[tilespmem:$0x1E800] =	vst v63  }
0x8f: {  	_ =	swait.ge [sflag:s17], $0x4000  }
0x90: {  	[sflag:s17] =	ssyncset.done $0x0  }
0x91: {  	[sflag:s17] =	ssyncadd.s32 $0xFFFFC000  }
0x92: {  	[tilespmem:s18], [sflag:$0x2] =	stream.indirect.gather [hbm4b:s4+s16], $0x80, s16, s16, $0xb8;
	[tilespmem:$0x1E800] =	vst v63  }
0x93: {  	_ = 	snop  }
0x94: {  	[spmem:s2] =	stream.indirect.scatter.add.f32 [tilespmem:s13], [sflag:$0x3], $0x80, s15, s16, $0xb8;
	[tilespmem:$0x1E800] =	vst v63  }
0x95: {  	_ =	swait.ge [sflag:s19], $0x4000  }
0x96: {  	[sflag:s19] =	ssyncset.done $0x0  }
0x97: {  	[sflag:s19] =	ssyncadd.s32 $0xFFFFC000  }
0x98: {  	_ =	swait.ge [sflag:s25], $0x4000  }
0x99: {  	[sflag:s25] =	ssyncset.done $0x0  }
0x9a: {  	[sflag:s25] =	ssyncadd.s32 $0xFFFFC000  }
0x9b: {  	[tilespmem:s13], [sflag:$0x1] =	stream.indirect.gather [hbm4b:s4+s16], $0x80, s26, s16, $0xb8;
	[tilespmem:$0x1E800] =	vst v63  }
0x9c: {  	s31 =	simm.s32 $0xFFFFB800  }
0x9d: {  	[spmem:s2] =	stream.indirect.scatter.add.f32 [tilespmem:s18], [sflag:$0x4], $0x80, s28, s16, $0xb8;
	[tilespmem:$0x1E800] =	vst v63  }
.LBB2_7:
0x9e: {  	_ =	swait.ge [sflag:s17], $0x4000  }
0x9f: {  	[sflag:s17] =	ssyncset.done $0x0  }
0xa0: {  	[sflag:s17] =	ssyncadd.s32 $0xFFFFC000  }
0xa1: {  	_ =	swait.ge [sflag:s29], $0x4000  }
0xa2: {  	s1 =	sshra.s32 s31, $0x2;
	[sflag:s29] =	ssyncset.done $0x0  }
0xa3: {  	s0 =	sadd.s32 $0x1380, s1;
	[sflag:s29] =	ssyncadd.s32 $0xFFFFC000  }
0xa4: {  	[tilespmem:s18], [sflag:$0x2] =	stream.indirect.gather [hbm4b:s4+s16], $0x80, s0, s16, $0xb8;
	[tilespmem:$0x1E800] =	vst v63  }
0xa5: {  	s0 =	sadd.s32 $0x2700, s1  }
0xa6: {  	[spmem:s2] =	stream.indirect.scatter.add.f32 [tilespmem:s13], [sflag:$0x3], $0x80, s0, s16, $0xb8;
	[tilespmem:$0x1E800] =	vst v63  }
0xa7: {  	p0 =	seq.s32 s31, $0x0;
	_ =	swait.ge [sflag:s19], $0x4000  }
.Ltmp5:
0xa8: {  	[sflag:s19] =	ssyncset.done $0x0;
	(pc) =	sbr.rel @p0 .LBB2_9-.Ltmp5, $4  }
0xa9: {  	[sflag:s19] =	ssyncadd.s32 $0xFFFFC000  }
0xaa: {  	_ =	swait.ge [sflag:s25], $0x4000  }
0xab: {  	[sflag:s25] =	ssyncset.done $0x0  }
0xac: {  	s0 =	sadd.s32 $0x2780, s1;
	[sflag:s25] =	ssyncadd.s32 $0xFFFFC000  }
.Ltmp6:
0xad: {  	(pc) =	sbr.rel .LBB2_7-.Ltmp6, $4  }
0xae: {  	s1 =	sadd.s32 $0x1400, s1  }
0xaf: {  	[tilespmem:s13], [sflag:$0x1] =	stream.indirect.gather [hbm4b:s4+s16], $0x80, s1, s16, $0xb8;
	[tilespmem:$0x1E800] =	vst v63  }
0xb0: {  	s31 =	sadd.s32 $0x400, s31  }
0xb1: {  	[spmem:s2] =	stream.indirect.scatter.add.f32 [tilespmem:s18], [sflag:$0x4], $0x80, s0, s16, $0xb8;
	[tilespmem:$0x1E800] =	vst v63  }
.LBB2_10:
0xb2: {  	_ =	sfence.sel $0x180000  }
0xb3: {  	[bflag:$0x0] =	sbarrier.arrive $0xFFFF  }
0xb4: {  	_ =	strace $0x9000004A  }
0xb5: {  	s0 =	stileid.u32;
	[bflag:$0x2] =	sbarrier.arrive $0xFFFF  }
0xb6: {  	p0 =	sne.s32 s0, $0x0;
	s0 =	rddreg [dreg:$0x3]  }
0xb7: {  	s0 =	sadd.s32 @!p0 $0x100000, s0  }
0xb8: {  	[sflag:s0] =	ssyncadd.tile.s32 @!p0 $0x1;
	_ =	shalt  }
.Lfunc_end2:
_tile_overlayer_lowered:
.L_overlay_start_2:
0xb9: {  	(tag) =	ssettag $0x2  }
0xba: {  	s0 =	rddreg [dreg:$0x0];
	s2 =	stileid.u32  }
0xbb: {  	s1 =	rddreg [dreg:$0x1];
	p0 =	sne.s32 s2, $0x0  }
0xbc: {  	s3 =	rddreg [dreg:$0x2];
	[bflag:$0x3] =	sbarrier.arrive $0xFFFF;
	s2 =	simm.s32 @!p0 $0x1C05  }
0xbd: {  	[timem:s3], [sflag:s2] =	dma.local @!p0 [hbm:s0], s1  }
0xbe: {  	s0 =	simm.s32 @!p0 $0x5  }
0xbf: {  	_ =	swait.ge @!p0 [sflag:s0], s1  }
0xc0: {  	s1 =	ssub.s32 @!p0 $0x0, s1;
	[sflag:s0] =	ssyncset.done @!p0 $0x0  }
0xc1: {  	[sflag:s0] =	ssyncadd.s32 @!p0 s1  }
0xc2: {  	[bflag:$0x3] =	sbarrier.arrive $0xFFFF  }
0xc3: {  	_ =	shalt  }

// kernel: kernel.14.cloned.1.call-start
scs
__scs_entry_jumppad:
0x0: {  	(pc) =	sbr.rel $0x88, $3  }
0x1: {  	(tag) =	ssettag $0x0;
	lr =	simm.s32 $0x1  }
0x2: {  	[smem:$0x3F9B] =	sst lr;
	_ =	strace $0xD0000000  }
0x3: {  	_ = 	snop  }
0x4: {  	_ = 	snop  }
0x5: {  	_ = 	snop  }
0x6: {  	_ = 	snop  }
0x7: {  	_ = 	snop  }
__scs_overlays_trampoline_lowered:
0x8: {  	[smem:$0x3FAA] =	sst s0  }
0x9: {  	[smem:$0x3FAB] =	sst s1  }
0xa: {  	[smem:$0x3FAC] =	sst s2  }
0xb: {  	[smem:$0x3FAD] =	sst s3  }
0xc: {  	[smem:$0x3FAE] =	sst s4  }
0xd: {  	[smem:$0x3FAF] =	sst s5  }
0xe: {  	[smem:$0x3FB0] =	sst s6  }
0xf: {  	[smem:$0x3FB1] =	sst s7  }
0x10: {  	[smem:$0x3FB2] =	sst s8  }
0x11: {  	[smem:$0x3FB3] =	sst s9;
	s0 =	simm.s32 @!p0 $0x0  }
0x12: {  	s1 =	sld [smem:$0x3F99];
	s0 =	simm.s32 @p0 $0x1  }
0x13: {  	[smem:$0x3FB4] =	sst s0;
	s0 =	simm.s32 @!p1 $0x0  }
0x14: {  	s2 =	sld [smem:$0x3F98];
	s0 =	simm.s32 @p1 $0x1  }
0x15: {  	[smem:$0x3FB5] =	sst s0;
	s0 =	simm.s32 @!p2 $0x0  }
0x16: {  	s3 =	sld [smem:$0x3FDB];
	s0 =	simm.s32 @p2 $0x1  }
0x17: {  	s4 =	simm.s32 $0x1BF5;
	[smem:$0x3FB7] =	sst s0  }
0x18: {  	s0 =	sld [smem:$0x3F9A];
	_ =	swait.ge [sflag:s4], $0x0  }
0x19: {  	s7 =	sld [smem:$0x3F9B]  }
0x1a: {  	s8 =	sadd.s32 $0xFFFFE003, lr  }
0x1b: {  	s9 =	sadd.s32 $0xFFFFFEF7, lr;
	s5 =	simm.s32 $0xFFFFFFFF;
	p2 =	slt.u32 s8, $0xFFFFF086  }
0x1c: {  	p1 =	slt.u32 s9, $0xF7A;
	s5 =	simm.s32 @!p2 $0x0  }
0x1d: {  	s5 =	simm.s32 @p1 $0x1;
	p0 =	seq.s32 s7, s2  }
0x1e: {  	s7 =	smul.u32 @!p0 $0xF7A, s2;
	p2 =	seq.s32 @!p0 s5, $0x0  }
0x1f: {  	s9 =	smul.u32 $0xF7A, s1;
	s8 =	simm.s32 @!p0 $0x1BF5;
	p2 =	por !p2, p0  }
0x20: {  	[sflag:s8] =	ssyncset.s32 @!p0 $0xFFFFF086;
	s6 =	sadd.s32 @!p0 s3, s7;
	s7 =	simm.s32 @!p0 $0x108  }
0x21: {  	s3 =	sadd.s32 s3, s9;
	s6 =	sadd.s32 @!p0 $0x88, s6;
	s7 =	simm.s32 @p2 $0x1082  }
0x22: {  	[simem:s7], [sflag:s8] =	dma.local @!p0 [hbm:s6], $0xF7A  }
0x23: {  	s9 =	sor.u32 $0xD0000000, s2;
	s6 =	simm.s32 $0x108;
	_ =	swait.ge @!p0 [sflag:s8], $0x0  }
0x24: {  	s3 =	sadd.s32 $0x88, s3;
	s6 =	simm.s32 @!p1 $0x1082;
	[sflag:s4] =	ssyncset.s32 $0xFFFFF086  }
0x25: {  	[simem:s6], [sflag:s4] =	dma.local [hbm:s3], $0xF7A  }
0x26: {  	[smem:$0x3F9B] =	sst s1;
	(tag) =	ssettag s2;
	_ =	strace s9  }
0x27: {  	s1 =	sld [smem:$0x3FAB]  }
0x28: {  	s2 =	sld [smem:$0x3FAC]  }
0x29: {  	s4 =	sld [smem:$0x3FAE]  }
0x2a: {  	p0 =	seq.s32 s5, $0x0;
	s5 =	sld [smem:$0x3FAF]  }
0x2b: {  	s6 =	sld [smem:$0x3FB0]  }
0x2c: {  	s7 =	sld [smem:$0x3FB1]  }
0x2d: {  	s3 =	simm.s32 $0x108;
	s8 =	sld [smem:$0x3FB2]  }
0x2e: {  	s3 =	simm.s32 @!p0 $0x1082;
	s9 =	sld [smem:$0x3FB3]  }
0x2f: {  	lr =	sadd.s32 s0, s3;
	s0 =	sld [smem:$0x3FAA]  }
0x30: {  	s3 =	sld [smem:$0x3FAD]  }
0x31: {  	[smem:$0x3FB6] =	sst s10  }
0x32: {  	s10 =	sld [smem:$0x3FB4];
	_ =	sdelay $0x3  }
0x33: {  	p0 =	seq.s32 s10, $0x1;
	s10 =	sld [smem:$0x3FB6];
	_ =	sdelay $0x3  }
0x34: {  	[smem:$0x3FB6] =	sst s10  }
0x35: {  	s10 =	sld [smem:$0x3FB5];
	_ =	sdelay $0x3  }
0x36: {  	p1 =	seq.s32 s10, $0x1;
	s10 =	sld [smem:$0x3FB6];
	_ =	sdelay $0x3  }
0x37: {  	[smem:$0x3FB6] =	sst s10  }
0x38: {  	s10 =	sld [smem:$0x3FB7]  }
0x39: {  	_ = 	snop;
	(pc) =	sbr.ind lr, $3  }
0x3a: {  	_ = 	snop  }
0x3b: {  	_ = 	snop  }
0x3c: {  	p2 =	seq.s32 s10, $0x1;
	s10 =	sld [smem:$0x3FB6]  }
0x3d: {  	_ =	shalt  }
0x3e: {  	_ =	shalt  }
0x3f: {  	_ =	shalt  }
0x40: {  	_ =	shalt  }
0x41: {  	_ =	shalt  }
0x42: {  	_ =	shalt  }
0x43: {  	_ =	shalt  }
0x44: {  	_ =	shalt  }
0x45: {  	_ =	shalt  }
0x46: {  	_ =	shalt  }
0x47: {  	_ =	shalt  }
0x48: {  	_ =	shalt  }
0x49: {  	_ =	shalt  }
0x4a: {  	_ =	shalt  }
0x4b: {  	_ =	shalt  }
0x4c: {  	_ =	shalt  }
0x4d: {  	_ =	shalt  }
0x4e: {  	_ =	shalt  }
0x4f: {  	_ =	shalt  }
0x50: {  	_ =	shalt  }
0x51: {  	_ =	shalt  }
0x52: {  	_ =	shalt  }
0x53: {  	_ =	shalt  }
0x54: {  	_ =	shalt  }
0x55: {  	_ =	shalt  }
0x56: {  	_ =	shalt  }
0x57: {  	_ =	shalt  }
0x58: {  	_ =	shalt  }
0x59: {  	_ =	shalt  }
0x5a: {  	_ =	shalt  }
0x5b: {  	_ =	shalt  }
0x5c: {  	_ =	shalt  }
0x5d: {  	_ =	shalt  }
0x5e: {  	_ =	shalt  }
0x5f: {  	_ =	shalt  }
0x60: {  	_ =	shalt  }
0x61: {  	_ =	shalt  }
0x62: {  	_ =	shalt  }
0x63: {  	_ =	shalt  }
0x64: {  	_ =	shalt  }
0x65: {  	_ =	shalt  }
0x66: {  	_ =	shalt  }
0x67: {  	_ =	shalt  }
0x68: {  	_ =	shalt  }
0x69: {  	_ =	shalt  }
0x6a: {  	_ =	shalt  }
0x6b: {  	_ =	shalt  }
0x6c: {  	_ =	shalt  }
0x6d: {  	_ =	shalt  }
0x6e: {  	_ =	shalt  }
0x6f: {  	_ =	shalt  }
0x70: {  	_ =	shalt  }
0x71: {  	_ =	shalt  }
0x72: {  	_ =	shalt  }
0x73: {  	_ =	shalt  }
0x74: {  	_ =	shalt  }
0x75: {  	_ =	shalt  }
0x76: {  	_ =	shalt  }
0x77: {  	_ =	shalt  }
0x78: {  	_ =	shalt  }
0x79: {  	_ =	shalt  }
0x7a: {  	_ =	shalt  }
0x7b: {  	_ =	shalt  }
0x7c: {  	_ =	shalt  }
0x7d: {  	_ =	shalt  }
0x7e: {  	_ =	shalt  }
0x7f: {  	_ =	shalt  }
0x80: {  	_ =	shalt  }
0x81: {  	_ =	shalt  }
0x82: {  	_ =	shalt  }
0x83: {  	_ =	shalt  }
0x84: {  	_ =	shalt  }
0x85: {  	_ =	shalt  }
0x86: {  	_ =	shalt  }
0x87: {  	_ =	shalt  }
.Lfunc_end0:
.L_simem_size_0:
called_computation.2_lowered:
.L_overlay_start_0:
0x88: {  	s2 =	sld [smem:$0x3FD9]  }
0x89: {  	s3 =	sld [smem:$0x3FFE];
	_ =	sdelay $0x1  }
0x8a: {  	s1 =	srdreg.scid  }
0x8b: {  	s0 =	sand.u32 $0x1, s1  }
0x8c: {  	s17 =	sshll.u32 s0, $0xA;
	s2 =	sadd.s32 s3, s2  }
0x8d: {  	s2 =	sadd.s32 s2, s17  }
0x8e: {  	[smem:$0x3FC2] =	sst s2  }
0x8f: {  	_ = 	snop  }
0x90: {  	s2 =	sld [smem:$0x3FD0];
	(tm) =	ssettm $0x1  }
0x91: {  	s18 =	sld [smem:$0x3FFB];
	_ =	sdelay $0x3  }
0x92: {  	_ =	strace s18  }
0x93: {  	s3 =	sld [smem:$0x3FFC];
	_ =	sdelay $0x3  }
0x94: {  	_ =	strace s3  }
0x95: {  	s3 =	sld [smem:$0x3FFD];
	_ =	sdelay $0x3  }
0x96: {  	_ =	strace s3  }
0x97: {  	_ =	strace $0x8FFFFFFF  }
0x98: {  	s19 =	sld [smem:$0x3FDB];
	_ =	sdelay $0x1  }
0x99: {  	s4 =	simm.s32 $_scs_section_size  }
0x9a: {  	s5 =	simm.s32 $_size__tile_overlayer_lowered;
	s6 =	simm.s32 $_tile_overlayer_lowered  }
0x9b: {  	s22 =	simm.s32 $0x1BFF;
	s21 =	sshll.u32 s6, $0x1;
	s3 =	sadd.s32 s4, s19  }
0x9c: {  	s7 =	simm.s32 $0x0;
	s20 =	sshll.u32 s5, $0x1;
	s5 =	sadd.s32 s21, s3  }
0x9d: {  	[timem:s7], [sflag:s22] =	dma.local [hbm:s5], s20  }
0x9e: {  	_ =	swait.ge [sflag:s22], s20  }
0x9f: {  	s4 =	ssub.s32 $0x0, s20;
	[sflag:s22] =	ssyncset.done $0x0  }
0xa0: {  	[sflag:s22] =	ssyncadd.s32 s4;
	_ =	sdelay $0x1  }
0xa1: {  	s23 =	simm.s32 $0x1B8B  }
0xa2: {  	_ =	swait.ge [sflag:s23], $0x1  }
0xa3: {  	[sflag:s23] =	ssyncset.done $0x0  }
0xa4: {  	s25 =	simm.s32 $0x1B8E;
	s24 =	sld [smem:$0x3FFE];
	[sflag:s23] =	ssyncadd.s32 $0xFFFFFFFF  }
0xa5: {  	s26 =	simm.s32 $execute0_lowered;
	[smem:$0x3FD2] =	sst s25  }
0xa6: {  	s5 =	sshll.u32 s26, $0x1;
	_ =	strace $0x8000004C;
	[dreg:$0x1] =	wrdreg $0xFFFFFFFF  }
0xa7: {  	s28 =	simm.s32 $_size_execute0_lowered;
	s3 =	sadd.s32 s3, s5;
	[dreg:$0x0] =	wrdreg $0x0  }
0xa8: {  	s5 =	sshll.u32 s28, $0x1;
	[dreg:$0x2] =	wrdreg s3  }
0xa9: {  	[dreg:$0x3] =	wrdreg s5  }
0xaa: {  	[dreg:$0x4] =	wrdreg $0xC0  }
0xab: {  	_ =	task [dreg:s7], $0x5FFFF  }
0xac: {  	[dreg:$0x1] =	wrdreg $0xFFFFFFFF  }
0xad: {  	[dreg:$0x0] =	wrdreg $0x60  }
0xae: {  	[dreg:$0x2] =	wrdreg s24  }
0xaf: {  	[dreg:$0x3] =	wrdreg s2  }
0xb0: {  	[dreg:$0x4] =	wrdreg $0xA8000  }
0xb1: {  	[dreg:$0x5] =	wrdreg $0x9  }
0xb2: {  	_ =	task.clear_ibuf [dreg:s7], $0x6FFFF;
	_ =	strace $0x9000004C  }
0xb3: {  	s29 =	simm.s32 $0x9;
	_ =	strace $0x8000004E  }
0xb4: {  	_ =	swait.ge [sflag:s29], $0x1  }
0xb5: {  	[sflag:s29] =	ssyncadd.s32 $0xFFFFFFFF  }
0xb6: {  	_ =	strace $0x9000004E  }
0xb7: {  	_ =	sfence  }
0xb8: {  	s30 =	sld [smem:$0x0];
	_ =	sdelay $0x2  }
0xb9: {  	s31 =	sshll.u32 s1, $0xD;
	s1 =	sshrl.u32 s1, $0x2  }
0xba: {  	s3 =	sand.u32 $0x4000, s31;
	s1 =	sadd.s32 s1, s30  }
0xbb: {  	s0 =	sor.u32 s3, s0;
	s1 =	sshll.u32 s1, $0x11  }
0xbc: {  	s0 =	sor.u32 s1, s0  }
0xbd: {  	s0 =	sadd.s32 $0x8F2B, s0  }
0xbe: {  	[sflag:s0] =	ssyncadd.remote.s32 $0x1  }
0xbf: {  	_ =	sfence.sel $0xFFFF  }
0xc0: {  	[dreg:$0x0] =	wrdreg $0xFFFFFFFF;
	(pc) =	sbr.abs _section_cstart, $3  }
0xc1: {  	[dreg:$0x1] =	wrdreg $0xFFFFFFFF  }
0xc2: {  	_ =	task.clear_ibuf [dreg:s7], $0x2FFFF;
	_ =	strace $0x9FFFFFFF  }
0xc3: {  	(tm) =	ssettm $0x7FFFFFFF  }
tec
execute0_lowered:
.L_overlay_start_1:
0x0: {  	(tag) =	ssettag $0x1  }
0x1: {  	s0 =	rddreg [dreg:$0x0]  }
0x2: {  	s1 =	rddreg [dreg:$0x1];
	s3 =	srdreg.scid  }
0x3: {  	s12 =	stileid.u32;
	s2 =	rddreg [dreg:$0x2]  }
0x4: {  	s16 =	simm.s32 $0x80;
	s17 =	simm.s32 $0x1;
	s18 =	simm.s32 $0x6800  }
0x5: {  	s19 =	simm.s32 $0x2;
	s28 =	simm.s32 $0x1480;
	s10 =	smul.u32 $0x5, s12  }
0x6: {  	s29 =	simm.s32 $0x4;
	s30 =	simm.s32 $0x0;
	s11 =	smul.u32 $0x50000, s12  }
0x7: {  	s5 =	sand.u32 $0x1, s3;
	s4 =	sshll.u32 s12, $0x1;
	s20 =	smul.u32 $0x2800, s12  }
0x8: {  	s3 =	simm.s32 $0x0;
	s4 =	sor.u32 s5, s4;
	s7 =	smul.u32 $0x28000, s5  }
0x9: {  	[smem:$0x7FF] =	sst s3;
	s5 =	ssub.s32 $0x2, s5;
	s6 =	smul.u32 $0x500, s4  }
0xa: {  	_ =	strace $0x8000004D;
	s4 =	sadd.s32 $0x5CA00, s0;
	s9 =	sshrl.u32 s5, $0x1  }
0xb: {  	s22 =	sshrl.u32 s11, $0x2;
	s13 =	sadd.s32 $0x1, s10;
	s24 =	sadd.s32 $0x2, s10  }
0xc: {  	s14 =	sadd.s32 $0x3, s10;
	s15 =	sadd.s32 $0x4, s10;
	s9 =	ssub.s32 s5, s9  }
0xd: {  	s23 =	sshll.u32 s13, $0xE;
	s25 =	sshll.u32 s24, $0xE;
	s26 =	sshll.u32 s14, $0xE  }
0xe: {  	s31 =	sshll.u32 s15, $0xE;
	s21 =	sshll.u32 s13, $0xB;
	s13 =	simm.s32 $0x2800  }
0xf: {  	s8 =	sadd.s32 s6, s0;
	s0 =	sadd.s32 s7, s0;
	s5 =	sadd.s32 s1, s6  }
0x10: {  	s7 =	sadd.s32 s22, s2;
	s10 =	sadd.s32 s25, s2;
	s11 =	sadd.s32 s26, s2  }
0x11: {  	s12 =	sadd.s32 s31, s2;
	s1 =	sshll.u32 s24, $0xB;
	s24 =	sshll.u32 s15, $0xB  }
.Ltmp0:
0x12: {  	s15 =	simm.s32 $0x1400;
	s25 =	simm.s32 $0x3;
	(pc) =	sbr.rel .LBB2_1-.Ltmp0, $4  }
0x13: {  	s26 =	simm.s32 $0x100;
	s6 =	sadd.s32 $0x2A00, s8;
	s0 =	sadd.s32 $0x84A00, s0  }
0x14: {  	s8 =	smax.u32 s9, $0x1;
	s9 =	sadd.s32 s23, s2;
	s23 =	sshll.u32 s14, $0xB  }
0x15: {  	s14 =	simm.s32 $0x5;
	s20 =	sadd.s32 s20, s0;
	s21 =	sadd.s32 s21, s0  }
0x16: {  	v0 =	vimm.f32 $0.0e+00;
	s22 =	sadd.s32 s1, s0;
	s23 =	sadd.s32 s23, s0;
	s24 =	sadd.s32 s24, s0  }
.LBB2_9:
0x17: {  	[spmem:s2] =	stream.indirect.scatter.add.f32 [tilespmem:s18], [sflag:$0x4], $0x80, s0, s16, $0xb8;
	[tilespmem:$0x1E800] =	vst v63  }
0x18: {  	_ =	swait.ge [sflag:s29], $0x4000  }
0x19: {  	s1 =	stileid.u32;
	[sflag:s29] =	ssyncset.done $0x0  }
0x1a: {  	s0 =	sshll.u32 s1, $0x6;
	[sflag:s29] =	ssyncadd.s32 $0xFFFFC000  }
0x1b: {  	s1 =	sshrl.u32 s7, $0x3;
	s0 =	sor.u32 $0x1C05, s0;
	[bflag:$0x0] =	sbarrier.arrive $0xFFFF  }
0x1c: {  	[hbm:s20], [sflag:s0] =	dma.local [spmem:s1], $0x800  }
0x1d: {  	_ =	swait.ge [sflag:s14], $0x800  }
0x1e: {  	[sflag:s14] =	ssyncset.done $0x0  }
0x1f: {  	s31 =	sshrl.u32 s9, $0x3;
	[sflag:s14] =	ssyncadd.s32 $0xFFFFF800  }
0x20: {  	[hbm:s21], [sflag:s0] =	dma.local [spmem:s31], $0x800  }
0x21: {  	_ =	swait.ge [sflag:s14], $0x800  }
0x22: {  	[sflag:s14] =	ssyncset.done $0x0  }
0x23: {  	s31 =	sshrl.u32 s10, $0x3;
	[sflag:s14] =	ssyncadd.s32 $0xFFFFF800  }
0x24: {  	[hbm:s22], [sflag:s0] =	dma.local [spmem:s31], $0x800  }
0x25: {  	_ =	swait.ge [sflag:s14], $0x800  }
0x26: {  	[sflag:s14] =	ssyncset.done $0x0  }
0x27: {  	s31 =	sshrl.u32 s11, $0x3;
	[sflag:s14] =	ssyncadd.s32 $0xFFFFF800  }
0x28: {  	[hbm:s23], [sflag:s0] =	dma.local [spmem:s31], $0x800  }
0x29: {  	s30 =	sadd.s32 $0x1, s30;
	_ =	swait.ge [sflag:s14], $0x800  }
0x2a: {  	p0 =	sne.s32 s30, s8;
	[sflag:s14] =	ssyncset.done $0x0  }
.Ltmp1:
0x2b: {  	s31 =	sshrl.u32 s12, $0x3;
	[sflag:s14] =	ssyncadd.s32 $0xFFFFF800;
	(pc) =	sbr.rel @!p0 .LBB2_10-.Ltmp1, $4  }
0x2c: {  	[hbm:s24], [sflag:s0] =	dma.local [spmem:s31], $0x800  }
0x2d: {  	_ =	swait.ge [sflag:s14], $0x800  }
0x2e: {  	[sflag:s14] =	ssyncset.done $0x0  }
0x2f: {  	[sflag:s14] =	ssyncadd.s32 $0xFFFFF800  }
.LBB2_1:
0x30: {  	s31 =	simm.s32 $0x0;
	s1 =	simm.s32 $0x200  }
.LBB2_2:
0x31: {  	p0 =	sne.s32 s1, $0xFE00;
	[tilespmem:s31+$0x2870] =	vst v0  }
0x32: {  	[tilespmem:s31+$0x2800] =	vst v0  }
0x33: {  	[tilespmem:s31+$0x2810] =	vst v0  }
.Ltmp2:
0x34: {  	[tilespmem:s31+$0x2820] =	vst v0;
	(pc) =	sbr.rel @p0 .LBB2_2-.Ltmp2, $4  }
0x35: {  	[tilespmem:s31+$0x2830] =	vst v0  }
0x36: {  	[tilespmem:s31+$0x2840] =	vst v0  }
0x37: {  	[tilespmem:s31+$0x2850] =	vst v0  }
0x38: {  	[tilespmem:s31+$0x2860] =	vst v0;
	s31 =	sshra.s32 s1, $0x2;
	s1 =	sadd.s32 $0x200, s1  }
0x39: {  	[tilespmem:s31+$0x2870] =	vst v0  }
0x3a: {  	[tilespmem:s31+$0x2800] =	vst v0  }
0x3b: {  	[tilespmem:s31+$0x2810] =	vst v0  }
0x3c: {  	[tilespmem:s31+$0x2820] =	vst v0  }
0x3d: {  	[tilespmem:s31+$0x2830] =	vst v0  }
0x3e: {  	[tilespmem:s31+$0x2840] =	vst v0  }
0x3f: {  	[tilespmem:s31+$0x2850] =	vst v0  }
0x40: {  	[tilespmem:s31+$0x2860] =	vst v0  }
0x41: {  	[spmem:s7] =	stream.linear.scatter [tilespmem:s13], [sflag:$0x5], $0x4000, $0x38;
	[tilespmem:$0x1E800] =	vst v63  }
0x42: {  	_ =	swait.ge [sflag:s14], $0x4000  }
0x43: {  	[sflag:s14] =	ssyncset.done $0x0  }
0x44: {  	[sflag:s14] =	ssyncadd.s32 $0xFFFFC000  }
0x45: {  	[spmem:s9] =	stream.linear.scatter [tilespmem:s13], [sflag:$0x5], $0x4000, $0x38;
	[tilespmem:$0x1E800] =	vst v63  }
0x46: {  	_ =	swait.ge [sflag:s14], $0x4000  }
0x47: {  	[sflag:s14] =	ssyncset.done $0x0  }
0x48: {  	[sflag:s14] =	ssyncadd.s32 $0xFFFFC000  }
0x49: {  	[spmem:s10] =	stream.linear.scatter [tilespmem:s13], [sflag:$0x5], $0x4000, $0x38;
	[tilespmem:$0x1E800] =	vst v63  }
0x4a: {  	_ =	swait.ge [sflag:s14], $0x4000  }
0x4b: {  	[sflag:s14] =	ssyncset.done $0x0  }
0x4c: {  	[sflag:s14] =	ssyncadd.s32 $0xFFFFC000  }
0x4d: {  	[spmem:s11] =	stream.linear.scatter [tilespmem:s13], [sflag:$0x5], $0x4000, $0x38;
	[tilespmem:$0x1E800] =	vst v63  }
0x4e: {  	_ =	swait.ge [sflag:s14], $0x4000  }
0x4f: {  	[sflag:s14] =	ssyncset.done $0x0  }
0x50: {  	[sflag:s14] =	ssyncadd.s32 $0xFFFFC000  }
0x51: {  	[spmem:s12] =	stream.linear.scatter [tilespmem:s13], [sflag:$0x5], $0x4000, $0x38;
	[tilespmem:$0x1E800] =	vst v63  }
0x52: {  	_ =	swait.ge [sflag:s14], $0x4000  }
0x53: {  	[sflag:s14] =	ssyncset.done $0x0  }
0x54: {  	[sflag:s14] =	ssyncadd.s32 $0xFFFFC000  }
0x55: {  	[bflag:$0x0] =	sbarrier.arrive $0xFFFF  }
0x56: {  	[tilespmem:s3], [sflag:$0x5] =	stream.linear.gather [hbm4b:s5+s3], $0x1400, $0x38;
	[tilespmem:$0x1E800] =	vst v63  }
0x57: {  	_ =	swait.ge [sflag:s14], $0x1400  }
0x58: {  	[sflag:s14] =	ssyncset.done $0x0  }
0x59: {  	[sflag:s14] =	ssyncadd.s32 $0xFFFFEC00  }
0x5a: {  	[tilespmem:s15], [sflag:$0x5] =	stream.linear.gather [hbm4b:s6+s3], $0x1400, $0x38;
	[tilespmem:$0x1E800] =	vst v63  }
0x5b: {  	_ =	swait.ge [sflag:s14], $0x1400  }
0x5c: {  	[sflag:s14] =	ssyncset.done $0x0  }
0x5d: {  	[sflag:s14] =	ssyncadd.s32 $0xFFFFEC00  }
0x5e: {  	[tilespmem:s13], [sflag:$0x1] =	stream.indirect.gather [hbm4b:s4+s16], $0x80, s3, s16, $0xb8;
	[tilespmem:$0x1E800] =	vst v63  }
0x5f: {  	_ =	swait.ge [sflag:s17], $0x4000  }
0x60: {  	[sflag:s17] =	ssyncset.done $0x0  }
0x61: {  	[sflag:s17] =	ssyncadd.s32 $0xFFFFC000  }
0x62: {  	[tilespmem:s18], [sflag:$0x2] =	stream.indirect.gather [hbm4b:s4+s16], $0x80, s16, s16, $0xb8;
	[tilespmem:$0x1E800] =	vst v63  }
0x63: {  	_ = 	snop  }
0x64: {  	[spmem:s2] =	stream.indirect.scatter.add.f32 [tilespmem:s13], [sflag:$0x3], $0x80, s15, s16, $0xb8;
	[tilespmem:$0x1E800] =	vst v63  }
0x65: {  	_ =	swait.ge [sflag:s19], $0x4000  }
0x66: {  	[sflag:s19] =	ssyncset.done $0x0  }
0x67: {  	[sflag:s19] =	ssyncadd.s32 $0xFFFFC000  }
0x68: {  	_ =	swait.ge [sflag:s25], $0x4000  }
0x69: {  	[sflag:s25] =	ssyncset.done $0x0  }
0x6a: {  	[sflag:s25] =	ssyncadd.s32 $0xFFFFC000  }
0x6b: {  	[tilespmem:s13], [sflag:$0x1] =	stream.indirect.gather [hbm4b:s4+s16], $0x80, s26, s16, $0xb8;
	[tilespmem:$0x1E800] =	vst v63  }
0x6c: {  	s31 =	simm.s32 $0xFFFFB800  }
0x6d: {  	[spmem:s2] =	stream.indirect.scatter.add.f32 [tilespmem:s18], [sflag:$0x4], $0x80, s28, s16, $0xb8;
	[tilespmem:$0x1E800] =	vst v63  }
.LBB2_4:
0x6e: {  	_ =	swait.ge [sflag:s17], $0x4000  }
0x6f: {  	[sflag:s17] =	ssyncset.done $0x0  }
0x70: {  	[sflag:s17] =	ssyncadd.s32 $0xFFFFC000  }
0x71: {  	_ =	swait.ge [sflag:s29], $0x4000  }
0x72: {  	s1 =	sshra.s32 s31, $0x2;
	[sflag:s29] =	ssyncset.done $0x0  }
0x73: {  	s0 =	sadd.s32 $0x1380, s1;
	[sflag:s29] =	ssyncadd.s32 $0xFFFFC000  }
0x74: {  	[tilespmem:s18], [sflag:$0x2] =	stream.indirect.gather [hbm4b:s4+s16], $0x80, s0, s16, $0xb8;
	[tilespmem:$0x1E800] =	vst v63  }
0x75: {  	s0 =	sadd.s32 $0x2700, s1  }
0x76: {  	[spmem:s2] =	stream.indirect.scatter.add.f32 [tilespmem:s13], [sflag:$0x3], $0x80, s0, s16, $0xb8;
	[tilespmem:$0x1E800] =	vst v63  }
0x77: {  	p0 =	seq.s32 s31, $0x0;
	_ =	swait.ge [sflag:s19], $0x4000  }
.Ltmp3:
0x78: {  	[sflag:s19] =	ssyncset.done $0x0;
	(pc) =	sbr.rel @p0 .LBB2_6-.Ltmp3, $4  }
0x79: {  	[sflag:s19] =	ssyncadd.s32 $0xFFFFC000  }
0x7a: {  	_ =	swait.ge [sflag:s25], $0x4000  }
0x7b: {  	[sflag:s25] =	ssyncset.done $0x0  }
0x7c: {  	s0 =	sadd.s32 $0x2780, s1;
	[sflag:s25] =	ssyncadd.s32 $0xFFFFC000  }
.Ltmp4:
0x7d: {  	(pc) =	sbr.rel .LBB2_4-.Ltmp4, $4  }
0x7e: {  	s1 =	sadd.s32 $0x1400, s1  }
0x7f: {  	[tilespmem:s13], [sflag:$0x1] =	stream.indirect.gather [hbm4b:s4+s16], $0x80, s1, s16, $0xb8;
	[tilespmem:$0x1E800] =	vst v63  }
0x80: {  	s31 =	sadd.s32 $0x400, s31  }
0x81: {  	[spmem:s2] =	stream.indirect.scatter.add.f32 [tilespmem:s18], [sflag:$0x4], $0x80, s0, s16, $0xb8;
	[tilespmem:$0x1E800] =	vst v63  }
.LBB2_6:
0x82: {  	[spmem:s2] =	stream.indirect.scatter.add.f32 [tilespmem:s18], [sflag:$0x4], $0x80, s0, s16, $0xb8;
	[tilespmem:$0x1E800] =	vst v63  }
0x83: {  	_ =	swait.ge [sflag:s29], $0x4000  }
0x84: {  	[sflag:s29] =	ssyncset.done $0x0  }
0x85: {  	s1 =	sadd.s32 $0x280, s5;
	[sflag:s29] =	ssyncadd.s32 $0xFFFFC000  }
0x86: {  	[tilespmem:s3], [sflag:$0x5] =	stream.linear.gather [hbm4b:s1+s3], $0x1400, $0x38;
	[tilespmem:$0x1E800] =	vst v63  }
0x87: {  	_ =	swait.ge [sflag:s14], $0x1400  }
0x88: {  	[sflag:s14] =	ssyncset.done $0x0  }
0x89: {  	s1 =	sadd.s32 $0x280, s6;
	[sflag:s14] =	ssyncadd.s32 $0xFFFFEC00  }
0x8a: {  	[tilespmem:s15], [sflag:$0x5] =	stream.linear.gather [hbm4b:s1+s3], $0x1400, $0x38;
	[tilespmem:$0x1E800] =	vst v63  }
0x8b: {  	_ =	swait.ge [sflag:s14], $0x1400  }
0x8c: {  	[sflag:s14] =	ssyncset.done $0x0  }
0x8d: {  	[sflag:s14] =	ssyncadd.s32 $0xFFFFEC00  }
0x8e: {  	[tilespmem:s13], [sflag:$0x1] =	stream.indirect.gather [hbm4b:s4+s16], $0x80, s3, s16, $0xb8;
	[tilespmem:$0x1E800] =	vst v63  }
0x8f: {  	_ =	swait.ge [sflag:s17], $0x4000  }
0x90: {  	[sflag:s17] =	ssyncset.done $0x0  }
0x91: {  	[sflag:s17] =	ssyncadd.s32 $0xFFFFC000  }
0x92: {  	[tilespmem:s18], [sflag:$0x2] =	stream.indirect.gather [hbm4b:s4+s16], $0x80, s16, s16, $0xb8;
	[tilespmem:$0x1E800] =	vst v63  }
0x93: {  	_ = 	snop  }
0x94: {  	[spmem:s2] =	stream.indirect.scatter.add.f32 [tilespmem:s13], [sflag:$0x3], $0x80, s15, s16, $0xb8;
	[tilespmem:$0x1E800] =	vst v63  }
0x95: {  	_ =	swait.ge [sflag:s19], $0x4000  }
0x96: {  	[sflag:s19] =	ssyncset.done $0x0  }
0x97: {  	[sflag:s19] =	ssyncadd.s32 $0xFFFFC000  }
0x98: {  	_ =	swait.ge [sflag:s25], $0x4000  }
0x99: {  	[sflag:s25] =	ssyncset.done $0x0  }
0x9a: {  	[sflag:s25] =	ssyncadd.s32 $0xFFFFC000  }
0x9b: {  	[tilespmem:s13], [sflag:$0x1] =	stream.indirect.gather [hbm4b:s4+s16], $0x80, s26, s16, $0xb8;
	[tilespmem:$0x1E800] =	vst v63  }
0x9c: {  	s31 =	simm.s32 $0xFFFFB800  }
0x9d: {  	[spmem:s2] =	stream.indirect.scatter.add.f32 [tilespmem:s18], [sflag:$0x4], $0x80, s28, s16, $0xb8;
	[tilespmem:$0x1E800] =	vst v63  }
.LBB2_7:
0x9e: {  	_ =	swait.ge [sflag:s17], $0x4000  }
0x9f: {  	[sflag:s17] =	ssyncset.done $0x0  }
0xa0: {  	[sflag:s17] =	ssyncadd.s32 $0xFFFFC000  }
0xa1: {  	_ =	swait.ge [sflag:s29], $0x4000  }
0xa2: {  	s1 =	sshra.s32 s31, $0x2;
	[sflag:s29] =	ssyncset.done $0x0  }
0xa3: {  	s0 =	sadd.s32 $0x1380, s1;
	[sflag:s29] =	ssyncadd.s32 $0xFFFFC000  }
0xa4: {  	[tilespmem:s18], [sflag:$0x2] =	stream.indirect.gather [hbm4b:s4+s16], $0x80, s0, s16, $0xb8;
	[tilespmem:$0x1E800] =	vst v63  }
0xa5: {  	s0 =	sadd.s32 $0x2700, s1  }
0xa6: {  	[spmem:s2] =	stream.indirect.scatter.add.f32 [tilespmem:s13], [sflag:$0x3], $0x80, s0, s16, $0xb8;
	[tilespmem:$0x1E800] =	vst v63  }
0xa7: {  	p0 =	seq.s32 s31, $0x0;
	_ =	swait.ge [sflag:s19], $0x4000  }
.Ltmp5:
0xa8: {  	[sflag:s19] =	ssyncset.done $0x0;
	(pc) =	sbr.rel @p0 .LBB2_9-.Ltmp5, $4  }
0xa9: {  	[sflag:s19] =	ssyncadd.s32 $0xFFFFC000  }
0xaa: {  	_ =	swait.ge [sflag:s25], $0x4000  }
0xab: {  	[sflag:s25] =	ssyncset.done $0x0  }
0xac: {  	s0 =	sadd.s32 $0x2780, s1;
	[sflag:s25] =	ssyncadd.s32 $0xFFFFC000  }
.Ltmp6:
0xad: {  	(pc) =	sbr.rel .LBB2_7-.Ltmp6, $4  }
0xae: {  	s1 =	sadd.s32 $0x1400, s1  }
0xaf: {  	[tilespmem:s13], [sflag:$0x1] =	stream.indirect.gather [hbm4b:s4+s16], $0x80, s1, s16, $0xb8;
	[tilespmem:$0x1E800] =	vst v63  }
0xb0: {  	s31 =	sadd.s32 $0x400, s31  }
0xb1: {  	[spmem:s2] =	stream.indirect.scatter.add.f32 [tilespmem:s18], [sflag:$0x4], $0x80, s0, s16, $0xb8;
	[tilespmem:$0x1E800] =	vst v63  }
.LBB2_10:
0xb2: {  	_ =	sfence.sel $0x180000  }
0xb3: {  	[bflag:$0x0] =	sbarrier.arrive $0xFFFF  }
0xb4: {  	_ =	strace $0x9000004D  }
0xb5: {  	s0 =	stileid.u32;
	[bflag:$0x2] =	sbarrier.arrive $0xFFFF  }
0xb6: {  	p0 =	sne.s32 s0, $0x0;
	s0 =	rddreg [dreg:$0x3]  }
0xb7: {  	s0 =	sadd.s32 @!p0 $0x100000, s0  }
0xb8: {  	[sflag:s0] =	ssyncadd.tile.s32 @!p0 $0x1;
	_ =	shalt  }
.Lfunc_end2:
_tile_overlayer_lowered:
.L_overlay_start_2:
0xb9: {  	(tag) =	ssettag $0x2  }
0xba: {  	s0 =	rddreg [dreg:$0x0];
	s2 =	stileid.u32  }
0xbb: {  	s1 =	rddreg [dreg:$0x1];
	p0 =	sne.s32 s2, $0x0  }
0xbc: {  	s3 =	rddreg [dreg:$0x2];
	[bflag:$0x3] =	sbarrier.arrive $0xFFFF;
	s2 =	simm.s32 @!p0 $0x1C05  }
0xbd: {  	[timem:s3], [sflag:s2] =	dma.local @!p0 [hbm:s0], s1  }
0xbe: {  	s0 =	simm.s32 @!p0 $0x5  }
0xbf: {  	_ =	swait.ge @!p0 [sflag:s0], s1  }
0xc0: {  	s1 =	ssub.s32 @!p0 $0x0, s1;
	[sflag:s0] =	ssyncset.done @!p0 $0x0  }
0xc1: {  	[sflag:s0] =	ssyncadd.s32 @!p0 s1  }
0xc2: {  	[bflag:$0x3] =	sbarrier.arrive $0xFFFF  }
0xc3: {  	_ =	shalt  }

// kernel: kernel.8.cloned.1.call-start
scs
__scs_entry_jumppad:
0x0: {  	(pc) =	sbr.rel $0x88, $3  }
0x1: {  	(tag) =	ssettag $0x0;
	lr =	simm.s32 $0x1  }
0x2: {  	[smem:$0x3F9B] =	sst lr;
	_ =	strace $0xD0000000  }
0x3: {  	_ = 	snop  }
0x4: {  	_ = 	snop  }
0x5: {  	_ = 	snop  }
0x6: {  	_ = 	snop  }
0x7: {  	_ = 	snop  }
__scs_overlays_trampoline_lowered:
0x8: {  	[smem:$0x3FAA] =	sst s0  }
0x9: {  	[smem:$0x3FAB] =	sst s1  }
0xa: {  	[smem:$0x3FAC] =	sst s2  }
0xb: {  	[smem:$0x3FAD] =	sst s3  }
0xc: {  	[smem:$0x3FAE] =	sst s4  }
0xd: {  	[smem:$0x3FAF] =	sst s5  }
0xe: {  	[smem:$0x3FB0] =	sst s6  }
0xf: {  	[smem:$0x3FB1] =	sst s7  }
0x10: {  	[smem:$0x3FB2] =	sst s8  }
0x11: {  	[smem:$0x3FB3] =	sst s9;
	s0 =	simm.s32 @!p0 $0x0  }
0x12: {  	s1 =	sld [smem:$0x3F99];
	s0 =	simm.s32 @p0 $0x1  }
0x13: {  	[smem:$0x3FB4] =	sst s0;
	s0 =	simm.s32 @!p1 $0x0  }
0x14: {  	s2 =	sld [smem:$0x3F98];
	s0 =	simm.s32 @p1 $0x1  }
0x15: {  	[smem:$0x3FB5] =	sst s0;
	s0 =	simm.s32 @!p2 $0x0  }
0x16: {  	s3 =	sld [smem:$0x3FDB];
	s0 =	simm.s32 @p2 $0x1  }
0x17: {  	s4 =	simm.s32 $0x1BF5;
	[smem:$0x3FB7] =	sst s0  }
0x18: {  	s0 =	sld [smem:$0x3F9A];
	_ =	swait.ge [sflag:s4], $0x0  }
0x19: {  	s7 =	sld [smem:$0x3F9B]  }
0x1a: {  	s8 =	sadd.s32 $0xFFFFE003, lr  }
0x1b: {  	s9 =	sadd.s32 $0xFFFFFEF7, lr;
	s5 =	simm.s32 $0xFFFFFFFF;
	p2 =	slt.u32 s8, $0xFFFFF086  }
0x1c: {  	p1 =	slt.u32 s9, $0xF7A;
	s5 =	simm.s32 @!p2 $0x0  }
0x1d: {  	s5 =	simm.s32 @p1 $0x1;
	p0 =	seq.s32 s7, s2  }
0x1e: {  	s7 =	smul.u32 @!p0 $0xF7A, s2;
	p2 =	seq.s32 @!p0 s5, $0x0  }
0x1f: {  	s9 =	smul.u32 $0xF7A, s1;
	s8 =	simm.s32 @!p0 $0x1BF5;
	p2 =	por !p2, p0  }
0x20: {  	[sflag:s8] =	ssyncset.s32 @!p0 $0xFFFFF086;
	s6 =	sadd.s32 @!p0 s3, s7;
	s7 =	simm.s32 @!p0 $0x108  }
0x21: {  	s3 =	sadd.s32 s3, s9;
	s6 =	sadd.s32 @!p0 $0x88, s6;
	s7 =	simm.s32 @p2 $0x1082  }
0x22: {  	[simem:s7], [sflag:s8] =	dma.local @!p0 [hbm:s6], $0xF7A  }
0x23: {  	s9 =	sor.u32 $0xD0000000, s2;
	s6 =	simm.s32 $0x108;
	_ =	swait.ge @!p0 [sflag:s8], $0x0  }
0x24: {  	s3 =	sadd.s32 $0x88, s3;
	s6 =	simm.s32 @!p1 $0x1082;
	[sflag:s4] =	ssyncset.s32 $0xFFFFF086  }
0x25: {  	[simem:s6], [sflag:s4] =	dma.local [hbm:s3], $0xF7A  }
0x26: {  	[smem:$0x3F9B] =	sst s1;
	(tag) =	ssettag s2;
	_ =	strace s9  }
0x27: {  	s1 =	sld [smem:$0x3FAB]  }
0x28: {  	s2 =	sld [smem:$0x3FAC]  }
0x29: {  	s4 =	sld [smem:$0x3FAE]  }
0x2a: {  	p0 =	seq.s32 s5, $0x0;
	s5 =	sld [smem:$0x3FAF]  }
0x2b: {  	s6 =	sld [smem:$0x3FB0]  }
0x2c: {  	s7 =	sld [smem:$0x3FB1]  }
0x2d: {  	s3 =	simm.s32 $0x108;
	s8 =	sld [smem:$0x3FB2]  }
0x2e: {  	s3 =	simm.s32 @!p0 $0x1082;
	s9 =	sld [smem:$0x3FB3]  }
0x2f: {  	lr =	sadd.s32 s0, s3;
	s0 =	sld [smem:$0x3FAA]  }
0x30: {  	s3 =	sld [smem:$0x3FAD]  }
0x31: {  	[smem:$0x3FB6] =	sst s10  }
0x32: {  	s10 =	sld [smem:$0x3FB4];
	_ =	sdelay $0x3  }
0x33: {  	p0 =	seq.s32 s10, $0x1;
	s10 =	sld [smem:$0x3FB6];
	_ =	sdelay $0x3  }
0x34: {  	[smem:$0x3FB6] =	sst s10  }
0x35: {  	s10 =	sld [smem:$0x3FB5];
	_ =	sdelay $0x3  }
0x36: {  	p1 =	seq.s32 s10, $0x1;
	s10 =	sld [smem:$0x3FB6];
	_ =	sdelay $0x3  }
0x37: {  	[smem:$0x3FB6] =	sst s10  }
0x38: {  	s10 =	sld [smem:$0x3FB7]  }
0x39: {  	_ = 	snop;
	(pc) =	sbr.ind lr, $3  }
0x3a: {  	_ = 	snop  }
0x3b: {  	_ = 	snop  }
0x3c: {  	p2 =	seq.s32 s10, $0x1;
	s10 =	sld [smem:$0x3FB6]  }
0x3d: {  	_ =	shalt  }
0x3e: {  	_ =	shalt  }
0x3f: {  	_ =	shalt  }
0x40: {  	_ =	shalt  }
0x41: {  	_ =	shalt  }
0x42: {  	_ =	shalt  }
0x43: {  	_ =	shalt  }
0x44: {  	_ =	shalt  }
0x45: {  	_ =	shalt  }
0x46: {  	_ =	shalt  }
0x47: {  	_ =	shalt  }
0x48: {  	_ =	shalt  }
0x49: {  	_ =	shalt  }
0x4a: {  	_ =	shalt  }
0x4b: {  	_ =	shalt  }
0x4c: {  	_ =	shalt  }
0x4d: {  	_ =	shalt  }
0x4e: {  	_ =	shalt  }
0x4f: {  	_ =	shalt  }
0x50: {  	_ =	shalt  }
0x51: {  	_ =	shalt  }
0x52: {  	_ =	shalt  }
0x53: {  	_ =	shalt  }
0x54: {  	_ =	shalt  }
0x55: {  	_ =	shalt  }
0x56: {  	_ =	shalt  }
0x57: {  	_ =	shalt  }
0x58: {  	_ =	shalt  }
0x59: {  	_ =	shalt  }
0x5a: {  	_ =	shalt  }
0x5b: {  	_ =	shalt  }
0x5c: {  	_ =	shalt  }
0x5d: {  	_ =	shalt  }
0x5e: {  	_ =	shalt  }
0x5f: {  	_ =	shalt  }
0x60: {  	_ =	shalt  }
0x61: {  	_ =	shalt  }
0x62: {  	_ =	shalt  }
0x63: {  	_ =	shalt  }
0x64: {  	_ =	shalt  }
0x65: {  	_ =	shalt  }
0x66: {  	_ =	shalt  }
0x67: {  	_ =	shalt  }
0x68: {  	_ =	shalt  }
0x69: {  	_ =	shalt  }
0x6a: {  	_ =	shalt  }
0x6b: {  	_ =	shalt  }
0x6c: {  	_ =	shalt  }
0x6d: {  	_ =	shalt  }
0x6e: {  	_ =	shalt  }
0x6f: {  	_ =	shalt  }
0x70: {  	_ =	shalt  }
0x71: {  	_ =	shalt  }
0x72: {  	_ =	shalt  }
0x73: {  	_ =	shalt  }
0x74: {  	_ =	shalt  }
0x75: {  	_ =	shalt  }
0x76: {  	_ =	shalt  }
0x77: {  	_ =	shalt  }
0x78: {  	_ =	shalt  }
0x79: {  	_ =	shalt  }
0x7a: {  	_ =	shalt  }
0x7b: {  	_ =	shalt  }
0x7c: {  	_ =	shalt  }
0x7d: {  	_ =	shalt  }
0x7e: {  	_ =	shalt  }
0x7f: {  	_ =	shalt  }
0x80: {  	_ =	shalt  }
0x81: {  	_ =	shalt  }
0x82: {  	_ =	shalt  }
0x83: {  	_ =	shalt  }
0x84: {  	_ =	shalt  }
0x85: {  	_ =	shalt  }
0x86: {  	_ =	shalt  }
0x87: {  	_ =	shalt  }
.Lfunc_end0:
.L_simem_size_0:
called_computation_lowered:
.L_overlay_start_0:
0x88: {  	s2 =	sld [smem:$0x3FD9]  }
0x89: {  	s3 =	sld [smem:$0x3FFE];
	_ =	sdelay $0x1  }
0x8a: {  	s1 =	srdreg.scid  }
0x8b: {  	s0 =	sand.u32 $0x1, s1  }
0x8c: {  	s16 =	sshll.u32 s0, $0xA;
	s2 =	sadd.s32 s3, s2  }
0x8d: {  	s2 =	sadd.s32 s2, s16  }
0x8e: {  	[smem:$0x3FC2] =	sst s2  }
0x8f: {  	_ = 	snop  }
0x90: {  	(tm) =	ssettm $0x1  }
0x91: {  	s17 =	sld [smem:$0x3FFB];
	_ =	sdelay $0x3  }
0x92: {  	_ =	strace s17  }
0x93: {  	s2 =	sld [smem:$0x3FFC];
	_ =	sdelay $0x3  }
0x94: {  	_ =	strace s2  }
0x95: {  	s2 =	sld [smem:$0x3FFD];
	_ =	sdelay $0x3  }
0x96: {  	_ =	strace s2  }
0x97: {  	_ =	strace $0x8FFFFFFF  }
0x98: {  	s18 =	sld [smem:$0x3FDB];
	_ =	sdelay $0x1  }
0x99: {  	s19 =	simm.s32 $_scs_section_size  }
0x9a: {  	s4 =	simm.s32 $_size__tile_overlayer_lowered;
	s5 =	simm.s32 $_tile_overlayer_lowered  }
0x9b: {  	s22 =	simm.s32 $0x1BFF;
	s21 =	sshll.u32 s5, $0x1;
	s2 =	sadd.s32 s19, s18  }
0x9c: {  	s6 =	simm.s32 $0x0;
	s20 =	sshll.u32 s4, $0x1;
	s4 =	sadd.s32 s21, s2  }
0x9d: {  	[timem:s6], [sflag:s22] =	dma.local [hbm:s4], s20  }
0x9e: {  	_ =	swait.ge [sflag:s22], s20  }
0x9f: {  	s3 =	ssub.s32 $0x0, s20;
	[sflag:s22] =	ssyncset.done $0x0  }
0xa0: {  	[sflag:s22] =	ssyncadd.s32 s3;
	_ =	sdelay $0x1  }
0xa1: {  	s23 =	simm.s32 $0x1B8B  }
0xa2: {  	_ =	swait.ge [sflag:s23], $0x1  }
0xa3: {  	[sflag:s23] =	ssyncset.done $0x0  }
0xa4: {  	s25 =	simm.s32 $0x1B8E;
	s24 =	sld [smem:$0x3FFE];
	[sflag:s23] =	ssyncadd.s32 $0xFFFFFFFF  }
0xa5: {  	s26 =	simm.s32 $execute0_lowered;
	[smem:$0x3FD2] =	sst s25  }
0xa6: {  	s4 =	sshll.u32 s26, $0x1;
	_ =	strace $0x80000046;
	[dreg:$0x1] =	wrdreg $0xFFFFFFFF  }
0xa7: {  	s28 =	simm.s32 $_size_execute0_lowered;
	s2 =	sadd.s32 s2, s4;
	[dreg:$0x0] =	wrdreg $0x0  }
0xa8: {  	s4 =	sshll.u32 s28, $0x1;
	[dreg:$0x2] =	wrdreg s2  }
0xa9: {  	[dreg:$0x3] =	wrdreg s4  }
0xaa: {  	[dreg:$0x4] =	wrdreg $0xC0  }
0xab: {  	_ =	task [dreg:s6], $0x5FFFF  }
0xac: {  	[dreg:$0x1] =	wrdreg $0xFFFFFFFF  }
0xad: {  	[dreg:$0x0] =	wrdreg $0x60  }
0xae: {  	[dreg:$0x2] =	wrdreg s24  }
0xaf: {  	[dreg:$0x3] =	wrdreg $0x68000  }
0xb0: {  	[dreg:$0x4] =	wrdreg $0x9  }
0xb1: {  	_ =	task.clear_ibuf [dreg:s6], $0x5FFFF;
	_ =	strace $0x90000046  }
0xb2: {  	s29 =	simm.s32 $0x9;
	_ =	strace $0x80000048  }
0xb3: {  	_ =	swait.ge [sflag:s29], $0x1  }
0xb4: {  	[sflag:s29] =	ssyncadd.s32 $0xFFFFFFFF  }
0xb5: {  	_ =	strace $0x90000048  }
0xb6: {  	_ =	sfence  }
0xb7: {  	s30 =	sld [smem:$0x0];
	_ =	sdelay $0x2  }
0xb8: {  	s31 =	sshll.u32 s1, $0xD;
	s1 =	sshrl.u32 s1, $0x2  }
0xb9: {  	s3 =	sand.u32 $0x4000, s31;
	s1 =	sadd.s32 s1, s30  }
0xba: {  	s0 =	sor.u32 s3, s0;
	s1 =	sshll.u32 s1, $0x11  }
0xbb: {  	s0 =	sor.u32 s1, s0  }
0xbc: {  	s0 =	sadd.s32 $0x8F2B, s0  }
0xbd: {  	[sflag:s0] =	ssyncadd.remote.s32 $0x1  }
0xbe: {  	_ =	sfence.sel $0xFFFF  }
0xbf: {  	[dreg:$0x0] =	wrdreg $0xFFFFFFFF;
	(pc) =	sbr.abs _section_cstart, $3  }
0xc0: {  	[dreg:$0x1] =	wrdreg $0xFFFFFFFF  }
0xc1: {  	_ =	task.clear_ibuf [dreg:s6], $0x2FFFF;
	_ =	strace $0x9FFFFFFF  }
0xc2: {  	(tm) =	ssettm $0x7FFFFFFF  }
0xc3: {  	_ =	shalt  }
tec
execute0_lowered:
.L_overlay_start_1:
0x0: {  	(tag) =	ssettag $0x1  }
0x1: {  	s1 =	srdreg.scid  }
0x2: {  	s0 =	stileid.u32;
	s4 =	rddreg [dreg:$0x0]  }
0x3: {  	s2 =	rddreg [dreg:$0x1];
	s3 =	simm.s32 $0x0;
	s8 =	smul.u32 $0x5, s0  }
0x4: {  	s5 =	sand.u32 $0x1, s1;
	s1 =	rddreg [dreg:$0x2];
	s10 =	smul.u32 $0x50000, s0  }
0x5: {  	s25 =	sshll.u32 s0, $0x1;
	[smem:$0x7FF] =	sst s3;
	s14 =	smul.u32 $0x2800, s0  }
0x6: {  	s6 =	sor.u32 s5, s25;
	s7 =	smul.u32 $0x28000, s5;
	s5 =	ssub.s32 $0x2, s5  }
0x7: {  	_ =	strace $0x80000047;
	s6 =	smul.u32 $0x500, s6;
	s9 =	sshrl.u32 s5, $0x1  }
0x8: {  	s26 =	sshrl.u32 s10, $0x2;
	s11 =	sadd.s32 $0x1, s8;
	s12 =	sadd.s32 $0x2, s8  }
0x9: {  	s13 =	sadd.s32 $0x3, s8;
	s15 =	sadd.s32 $0x4, s8;
	s7 =	sadd.s32 s7, s4  }
0xa: {  	s9 =	ssub.s32 s5, s9;
	s5 =	sadd.s32 s26, s2;
	s28 =	sshll.u32 s11, $0xE  }
0xb: {  	s29 =	sshll.u32 s12, $0xE;
	s30 =	sshll.u32 s13, $0xE;
	s31 =	sshll.u32 s15, $0xE  }
0xc: {  	s16 =	sshll.u32 s11, $0xB;
	s17 =	sshll.u32 s12, $0xB;
	s19 =	sshll.u32 s13, $0xB  }
0xd: {  	s20 =	sshll.u32 s15, $0xB;
	s11 =	simm.s32 $0x1;
	s12 =	simm.s32 $0x2800  }
0xe: {  	s13 =	simm.s32 $0x80;
	s6 =	sadd.s32 s6, s4;
	s18 =	sadd.s32 $0xCA00, s7  }
0xf: {  	s7 =	sadd.s32 s28, s2;
	s8 =	sadd.s32 s29, s2;
	s10 =	sadd.s32 s31, s2  }
0x10: {  	s4 =	sadd.s32 $0x2A00, s6;
	s6 =	smax.u32 s9, $0x1;
	s9 =	sadd.s32 s30, s2  }
0x11: {  	s14 =	sadd.s32 s14, s18;
	s15 =	sadd.s32 s16, s18;
	s16 =	sadd.s32 s17, s18  }
0x12: {  	v0 =	vimm.f32 $0.0e+00;
	v1 =	vimm.f32 $1.000000000e+00;
	s17 =	sadd.s32 s19, s18;
	s18 =	sadd.s32 s20, s18;
	s19 =	simm.s32 $0x0  }
.LBB2_1:
0x13: {  	[tilespmem:s3], [sflag:$0x1] =	stream.linear.gather [hbm4b:s4+s3], $0x2800, $0x38;
	[tilespmem:$0x1A800] =	vst v63  }
0x14: {  	_ =	swait.ge [sflag:s11], $0x2800  }
0x15: {  	[sflag:s11] =	ssyncset.done $0x0  }
0x16: {  	s20 =	simm.s32 $0x0;
	s21 =	simm.s32 $0x200;
	[sflag:s11] =	ssyncadd.s32 $0xFFFFD800  }
.LBB2_2:
0x17: {  	p0 =	sne.s32 s21, $0xFE00;
	[tilespmem:s20+$0x2870] =	vst v0  }
0x18: {  	[tilespmem:s20+$0x2800] =	vst v0  }
0x19: {  	[tilespmem:s20+$0x2810] =	vst v0  }
.Ltmp0:
0x1a: {  	[tilespmem:s20+$0x2820] =	vst v0;
	(pc) =	sbr.rel @p0 .LBB2_2-.Ltmp0, $4  }
0x1b: {  	[tilespmem:s20+$0x2830] =	vst v0  }
0x1c: {  	[tilespmem:s20+$0x2840] =	vst v0  }
0x1d: {  	[tilespmem:s20+$0x2850] =	vst v0  }
0x1e: {  	[tilespmem:s20+$0x2860] =	vst v0;
	s20 =	sshra.s32 s21, $0x2;
	s21 =	sadd.s32 $0x200, s21  }
0x1f: {  	[tilespmem:s20+$0x2870] =	vst v0  }
0x20: {  	[tilespmem:s20+$0x2800] =	vst v0  }
0x21: {  	[tilespmem:s20+$0x2810] =	vst v0  }
0x22: {  	[tilespmem:s20+$0x2820] =	vst v0  }
0x23: {  	[tilespmem:s20+$0x2830] =	vst v0  }
0x24: {  	[tilespmem:s20+$0x2840] =	vst v0  }
0x25: {  	[tilespmem:s20+$0x2850] =	vst v0  }
0x26: {  	[tilespmem:s20+$0x2860] =	vst v0  }
0x27: {  	[spmem:s5] =	stream.linear.scatter [tilespmem:s12], [sflag:$0x1], $0x4000, $0x38;
	[tilespmem:$0x1A800] =	vst v63  }
0x28: {  	_ =	swait.ge [sflag:s11], $0x4000  }
0x29: {  	[sflag:s11] =	ssyncset.done $0x0  }
0x2a: {  	[sflag:s11] =	ssyncadd.s32 $0xFFFFC000  }
0x2b: {  	[spmem:s7] =	stream.linear.scatter [tilespmem:s12], [sflag:$0x1], $0x4000, $0x38;
	[tilespmem:$0x1A800] =	vst v63  }
0x2c: {  	_ =	swait.ge [sflag:s11], $0x4000  }
0x2d: {  	[sflag:s11] =	ssyncset.done $0x0  }
0x2e: {  	[sflag:s11] =	ssyncadd.s32 $0xFFFFC000  }
0x2f: {  	[spmem:s8] =	stream.linear.scatter [tilespmem:s12], [sflag:$0x1], $0x4000, $0x38;
	[tilespmem:$0x1A800] =	vst v63  }
0x30: {  	_ =	swait.ge [sflag:s11], $0x4000  }
0x31: {  	[sflag:s11] =	ssyncset.done $0x0  }
0x32: {  	[sflag:s11] =	ssyncadd.s32 $0xFFFFC000  }
0x33: {  	[spmem:s9] =	stream.linear.scatter [tilespmem:s12], [sflag:$0x1], $0x4000, $0x38;
	[tilespmem:$0x1A800] =	vst v63  }
0x34: {  	_ =	swait.ge [sflag:s11], $0x4000  }
0x35: {  	[sflag:s11] =	ssyncset.done $0x0  }
0x36: {  	[sflag:s11] =	ssyncadd.s32 $0xFFFFC000  }
0x37: {  	[spmem:s10] =	stream.linear.scatter [tilespmem:s12], [sflag:$0x1], $0x4000, $0x38;
	[tilespmem:$0x1A800] =	vst v63  }
0x38: {  	_ =	swait.ge [sflag:s11], $0x4000  }
0x39: {  	[sflag:s11] =	ssyncset.done $0x0  }
0x3a: {  	s20 =	simm.s32 $0x200;
	s21 =	simm.s32 $0x0;
	[sflag:s11] =	ssyncadd.s32 $0xFFFFC000  }
.LBB2_4:
0x3b: {  	p0 =	sne.s32 s20, $0xFE00;
	[tilespmem:s21+$0x2800] =	vst v1;
	s21 =	smov.u32 s20;
	s20 =	sadd.s32 $0x200, s20  }
.Ltmp1:
0x3c: {  	(pc) =	sbr.rel @p0 .LBB2_4-.Ltmp1, $2  }
0x3d: {  	_ =	sdelay $0x2  }
0x3e: {  	s21 =	sshra.s32 s21, $0x2  }
0x3f: {  	[tilespmem:s21+$0x2800] =	vst v1  }
0x40: {  	s20 =	simm.s32 $0x0;
	[bflag:$0x0] =	sbarrier.arrive $0xFFFF  }
0x41: {  	[spmem:s2] =	stream.indirect.scatter.add.f32 [tilespmem:s12], [sflag:$0x1], $0x80, s20, s13, $0xb8;
	[tilespmem:$0x1A800] =	vst v63  }
0x42: {  	_ =	swait.ge [sflag:s11], $0x4000  }
0x43: {  	s20 =	simm.s32 $0x200;
	[sflag:s11] =	ssyncset.done $0x0  }
.LBB2_6:
0x44: {  	s21 =	sshra.s32 s20, $0x2;
	[sflag:s11] =	ssyncadd.s32 $0xFFFFC000;
	p0 =	sne.s32 s20, $0x9E00  }
0x45: {  	[spmem:s2] =	stream.indirect.scatter.add.f32 [tilespmem:s12], [sflag:$0x1], $0x80, s21, s13, $0xb8;
	[tilespmem:$0x1A800] =	vst v63  }
.Ltmp2:
0x46: {  	_ = 	snop;
	(pc) =	sbr.rel @p0 .LBB2_6-.Ltmp2, $4  }
0x47: {  	_ = 	snop  }
0x48: {  	s20 =	sadd.s32 $0x200, s20  }
0x49: {  	_ =	swait.ge [sflag:s11], $0x4000  }
0x4a: {  	[sflag:s11] =	ssyncset.done $0x0  }
0x4b: {  	[sflag:s11] =	ssyncadd.s32 $0xFFFFC000;
	s20 =	sshll.u32 s0, $0x6  }
0x4c: {  	s21 =	sshrl.u32 s5, $0x3;
	[bflag:$0x0] =	sbarrier.arrive $0xFFFF;
	s20 =	sor.u32 $0x1C01, s20  }
0x4d: {  	[hbm:s14], [sflag:s20] =	dma.local [spmem:s21], $0x800  }
0x4e: {  	_ =	swait.ge [sflag:s11], $0x800  }
0x4f: {  	[sflag:s11] =	ssyncset.done $0x0  }
0x50: {  	s28 =	sshrl.u32 s7, $0x3;
	[sflag:s11] =	ssyncadd.s32 $0xFFFFF800  }
0x51: {  	[hbm:s15], [sflag:s20] =	dma.local [spmem:s28], $0x800  }
0x52: {  	_ =	swait.ge [sflag:s11], $0x800  }
0x53: {  	[sflag:s11] =	ssyncset.done $0x0  }
0x54: {  	s29 =	sshrl.u32 s8, $0x3;
	[sflag:s11] =	ssyncadd.s32 $0xFFFFF800  }
0x55: {  	[hbm:s16], [sflag:s20] =	dma.local [spmem:s29], $0x800  }
0x56: {  	_ =	swait.ge [sflag:s11], $0x800  }
0x57: {  	[sflag:s11] =	ssyncset.done $0x0  }
0x58: {  	s30 =	sshrl.u32 s9, $0x3;
	[sflag:s11] =	ssyncadd.s32 $0xFFFFF800  }
0x59: {  	[hbm:s17], [sflag:s20] =	dma.local [spmem:s30], $0x800  }
0x5a: {  	s19 =	sadd.s32 $0x1, s19;
	_ =	swait.ge [sflag:s11], $0x800  }
0x5b: {  	p0 =	sne.s32 s19, s6;
	[sflag:s11] =	ssyncset.done $0x0  }
.Ltmp3:
0x5c: {  	s31 =	sshrl.u32 s10, $0x3;
	[sflag:s11] =	ssyncadd.s32 $0xFFFFF800;
	(pc) =	sbr.rel @p0 .LBB2_1-.Ltmp3, $4  }
0x5d: {  	[hbm:s18], [sflag:s20] =	dma.local [spmem:s31], $0x800  }
0x5e: {  	_ =	swait.ge [sflag:s11], $0x800  }
0x5f: {  	[sflag:s11] =	ssyncset.done $0x0  }
0x60: {  	[sflag:s11] =	ssyncadd.s32 $0xFFFFF800  }
0x61: {  	_ =	sfence.sel $0x180000  }
0x62: {  	[bflag:$0x0] =	sbarrier.arrive $0xFFFF  }
0x63: {  	p0 =	sne.s32 s0, $0x0;
	_ =	strace $0x90000047  }
0x64: {  	s0 =	sadd.s32 @!p0 $0x100000, s1;
	[bflag:$0x2] =	sbarrier.arrive $0xFFFF  }
0x65: {  	[sflag:s0] =	ssyncadd.tile.s32 @!p0 $0x1;
	_ =	shalt  }
.Lfunc_end2:
_tile_overlayer_lowered:
.L_overlay_start_2:
0x66: {  	(tag) =	ssettag $0x2  }
0x67: {  	s0 =	rddreg [dreg:$0x0];
	s2 =	stileid.u32  }
0x68: {  	s1 =	rddreg [dreg:$0x1];
	p0 =	sne.s32 s2, $0x0  }
0x69: {  	s3 =	rddreg [dreg:$0x2];
	[bflag:$0x3] =	sbarrier.arrive $0xFFFF;
	s2 =	simm.s32 @!p0 $0x1C01  }
0x6a: {  	[timem:s3], [sflag:s2] =	dma.local @!p0 [hbm:s0], s1  }
0x6b: {  	s0 =	simm.s32 @!p0 $0x1  }
0x6c: {  	_ =	swait.ge @!p0 [sflag:s0], s1  }
0x6d: {  	s1 =	ssub.s32 @!p0 $0x0, s1;
	[sflag:s0] =	ssyncset.done @!p0 $0x0  }
0x6e: {  	[sflag:s0] =	ssyncadd.s32 @!p0 s1  }
0x6f: {  	[bflag:$0x3] =	sbarrier.arrive $0xFFFF  }
0x70: {  	_ =	shalt  }

</sc_bundles>
